<compile_context>
chip_gen: v7x
topology: tpu7x:2x2x1
jax: 0.10.2.dev20260603
libtpu: 0.0.44.dev20260713+nightly
codegen_flags: <defaults>
</compile_context>

<pallas_src>
import functools

import jax
import jax.numpy as jnp
from jax import lax
from jax.experimental import pallas as pl
from jax.experimental.pallas import tpu as pltpu
from jax.experimental.pallas import tpu_sc as plsc

D_MODEL = 1024
NUM_CORES = 2
NUM_SUBCORES = 16
NW = NUM_CORES * NUM_SUBCORES
CHUNK = 16
NBUF = 4


def _make_lookup(batch: int, seq: int):
    n_idx = batch * seq
    b_per_w = n_idx // NW
    w_per_row = seq // b_per_w
    n_chunks = b_per_w // CHUNK
    assert seq % b_per_w == 0
    assert n_chunks % NBUF == 0 and n_chunks >= 2 * NBUF
    mesh = plsc.VectorSubcoreMesh(core_axis_name="c", subcore_axis_name="s")

    @functools.partial(
        pl.kernel,
        mesh=mesh,
        out_type=jax.ShapeDtypeStruct((batch, seq, D_MODEL), jnp.float32),
        scratch_types=(
            [pltpu.VMEM((b_per_w,), jnp.int32)]
            + [pltpu.VMEM((CHUNK, D_MODEL), jnp.float32)] * NBUF
            + [pltpu.SemaphoreType.DMA] * (2 * NBUF)
        ),
    )
    def lookup(idx_hbm, table_hbm, out_hbm, idx_v, *scr):
        bufs = scr[:NBUF]
        gsems = scr[NBUF : 2 * NBUF]
        osems = scr[2 * NBUF :]
        wid = lax.axis_index("s") * NUM_CORES + lax.axis_index("c")
        row = wid // w_per_row
        col = (wid % w_per_row) * b_per_w
        pltpu.sync_copy(idx_hbm.at[row, pl.ds(col, b_per_w)], idx_v)

        def gather_start(c, b):
            pltpu.async_copy(
                table_hbm.at[idx_v.at[pl.ds(c * CHUNK, CHUNK)]], bufs[b], gsems[b]
            )

        def gather_wait(b):
            pltpu.make_async_copy(
                table_hbm.at[idx_v.at[pl.ds(0, CHUNK)]], bufs[b], gsems[b]
            ).wait()

        def out_start(c, b):
            pltpu.async_copy(
                bufs[b], out_hbm.at[row, pl.ds(col + c * CHUNK, CHUNK)], osems[b]
            )

        def out_wait(b):
            pltpu.make_async_copy(
                bufs[b], out_hbm.at[row, pl.ds(col, CHUNK)], osems[b]
            ).wait()

        for b in range(NBUF - 1):
            gather_start(b, b)
        gather_start(NBUF - 1, NBUF - 1)
        gather_wait(0)
        out_start(0, 0)

        def group_body(g, carry):
            for b in range(NBUF):
                c = g * NBUF + b
                out_wait(b)
                gather_start(c, b)
                db = (b + 1) % NBUF
                gather_wait(db)
                out_start(c - (NBUF - 1), db)
            return carry

        lax.fori_loop(1, n_chunks // NBUF, group_body, 0)

        for k in range(NBUF - 1, 0, -1):
            c = n_chunks - k
            gather_wait(c % NBUF)
            out_start(c, c % NBUF)
        for b in range(NBUF):
            out_wait(b)

    return lookup


def kernel(x, table):
    b, s = x.shape
    return _make_lookup(b, s)(x.astype(jnp.int32), table)

# --- scband reference (transcript-rebuilt; emitter-appended) ---
"""Pipeline reference for scband-shak-gptembedding-39539468927089 (READ-ONLY COPY).

The authoritative reference and input builder live on the scoring server;
editing this copy changes nothing except your own understanding.
"""

import jax, jax.numpy as jnp
import numpy as np

VOCAB = 100000
D_MODEL = 1024
B = 4
S = 4096

def setup_inputs(seed: int = 0) -> dict:
    key = jax.random.key(seed)
    k1, k2 = jax.random.split(key)
    x = jax.random.randint(k1, (B, S), 0, VOCAB, dtype=jnp.int64) if jax.config.jax_enable_x64 else jax.random.randint(k1, (B, S), 0, VOCAB, dtype=jnp.int32)
    table = jax.random.normal(k2, (VOCAB, D_MODEL), dtype=jnp.float32)
    return {"x": x, "table": table}

def reference(x, table):
    # token embedding lookup: nn.Embedding(vocab, d_model)(x)
    out = jnp.take(table, x, axis=0)
    # dropout with p=0.0 (eval / inference) is identity
    return out

if __name__ == "__main__":
    import jax
    _d = setup_inputs()
    print(jax.jit(kernel)(*tuple(_d.values())))

</pallas_src>

<mosaic_0001>
#map = affine_map<(d0, d1) -> (0, 0)>
#map1 = affine_map<(d0, d1) -> (0, 0, 0)>
module attributes {stable_mosaic.version = 14 : i64} {
  func.func @lookup(%arg0: i32, %arg1: i32, %arg2: memref<4x4096xi32, #tpu.memory_space<hbm>>, %arg3: memref<100000x1024xf32, #tpu.memory_space<hbm>>, %arg4: memref<4x4096x1024xf32, #tpu.memory_space<hbm>>, %arg5: memref<512xi32, #tpu.memory_space<vmem>>, %arg6: memref<16x1024xf32, #tpu.memory_space<vmem>>, %arg7: memref<16x1024xf32, #tpu.memory_space<vmem>>, %arg8: memref<16x1024xf32, #tpu.memory_space<vmem>>, %arg9: memref<16x1024xf32, #tpu.memory_space<vmem>>, %arg10: memref<!tpu.dma_semaphore, #tpu.memory_space<semaphore_mem>>, %arg11: memref<!tpu.dma_semaphore, #tpu.memory_space<semaphore_mem>>, %arg12: memref<!tpu.dma_semaphore, #tpu.memory_space<semaphore_mem>>, %arg13: memref<!tpu.dma_semaphore, #tpu.memory_space<semaphore_mem>>, %arg14: memref<!tpu.dma_semaphore, #tpu.memory_space<semaphore_mem>>, %arg15: memref<!tpu.dma_semaphore, #tpu.memory_space<semaphore_mem>>, %arg16: memref<!tpu.dma_semaphore, #tpu.memory_space<semaphore_mem>>, %arg17: memref<!tpu.dma_semaphore, #tpu.memory_space<semaphore_mem>>) attributes {dimension_semantics = [#tpu.dimension_semantics<core_parallel>, #tpu.dimension_semantics<subcore_parallel>], iteration_bounds = array<i64: 2, 16>, scalar_prefetch = 0 : i64, scratch_operands = 13 : i64, tpu.core_type = #tpu.core_type<sc_vector_subcore>, window_params = [{transform_indices = #map}, {transform_indices = #map}, {transform_indices = #map1}]} {
    %mul3A = arith.constant 2 : i32
    %mul3A_0 = arith.muli %arg1, %mul3A : i32
    %add3A = arith.addi %mul3A_0, %arg0 : i32
    %jit3A = arith.constant 8 : i32
    %div3A = arith.divsi %add3A, %jit3A : i32
    %sign3A = arith.constant 0 : i32
    %sign3A_1 = arith.cmpi sgt, %add3A, %sign3A : i32
    %sign3A_2 = arith.extui %sign3A_1 : i1 to i32
    %sign3A_3 = arith.constant 0 : i32
    %sign3A_4 = arith.cmpi slt, %add3A, %sign3A_3 : i32
    %sign3A_5 = arith.extui %sign3A_4 : i1 to i32
    %sign3A_6 = arith.subi %sign3A_2, %sign3A_5 : i32
    %sign3A_7 = arith.constant 0 : i32
    %sign3A_8 = arith.cmpi sgt, %jit3A, %sign3A_7 : i32
    %sign3A_9 = arith.extui %sign3A_8 : i1 to i32
    %sign3A_10 = arith.constant 0 : i32
    %sign3A_11 = arith.cmpi slt, %jit3A, %sign3A_10 : i32
    %sign3A_12 = arith.extui %sign3A_11 : i1 to i32
    %sign3A_13 = arith.subi %sign3A_9, %sign3A_12 : i32
    %ne3A = arith.cmpi ne, %sign3A_6, %sign3A_13 : i32
    %rem3A = arith.remsi %add3A, %jit3A : i32
    %ne3A_14 = arith.constant 0 : i32
    %ne3A_15 = arith.cmpi ne, %rem3A, %ne3A_14 : i32
    %and3A = arith.andi %ne3A, %ne3A_15 : i1
    %sub3A = arith.constant 1 : i32
    %sub3A_16 = arith.subi %div3A, %sub3A : i32
    %select_n3A = arith.select %and3A, %sub3A_16, %div3A : i32
    %jit3A_17 = arith.constant 8 : i32
    %eq3A = arith.constant 0 : i32
    %eq3A_18 = arith.cmpi eq, %jit3A_17, %eq3A : i32
    %jit3A_19 = arith.constant 1 : i32
    %select_n3A_20 = arith.select %eq3A_18, %jit3A_19, %jit3A_17 : i32
    %rem3A_21 = arith.remsi %add3A, %select_n3A_20 : i32
    %ne3A_22 = arith.constant 0 : i32
    %ne3A_23 = arith.cmpi ne, %rem3A_21, %ne3A_22 : i32
    %lt3A = arith.constant 0 : i32
    %lt3A_24 = arith.cmpi slt, %rem3A_21, %lt3A : i32
    %lt3A_25 = arith.constant 0 : i32
    %lt3A_26 = arith.cmpi slt, %select_n3A_20, %lt3A_25 : i32
    %ne3A_27 = arith.xori %lt3A_24, %lt3A_26 : i1
    %and3A_28 = arith.andi %ne3A_27, %ne3A_23 : i1
    %add3A_29 = arith.addi %rem3A_21, %select_n3A_20 : i32
    %select_n3A_30 = arith.select %and3A_28, %add3A_29, %rem3A_21 : i32
    %mul3A_31 = arith.constant 512 : i32
    %mul3A_32 = arith.muli %select_n3A_30, %mul3A_31 : i32
    "tpu.region"() ({
      %run_scoped3A = tpu.sem_alloc : memref<!tpu.dma_semaphore, #tpu.memory_space<semaphore_mem>>
      %dma_start3A_132 = tpu.memref_slice %arg2[%select_n3A, %mul3A_32] : memref<4x4096xi32, #tpu.memory_space<hbm>> -> memref<1x512xi32, #tpu.memory_space<hbm>>
      %dma_start3A_133 = tpu.memref_squeeze %dma_start3A_132 : memref<1x512xi32, #tpu.memory_space<hbm>> -> memref<512xi32, #tpu.memory_space<hbm>>
      %dma_start3A_134 = tpu.memref_slice %arg2[%select_n3A, %mul3A_32] : memref<4x4096xi32, #tpu.memory_space<hbm>> -> memref<1x512xi32, #tpu.memory_space<hbm>>
      %dma_start3A_135 = tpu.memref_squeeze %dma_start3A_134 : memref<1x512xi32, #tpu.memory_space<hbm>> -> memref<512xi32, #tpu.memory_space<hbm>>
      tpu.enqueue_dma source(%dma_start3A_135 : memref<512xi32, #tpu.memory_space<hbm>>) target(%arg5 : memref<512xi32, #tpu.memory_space<vmem>>) target_semaphore(%run_scoped3A : memref<!tpu.dma_semaphore, #tpu.memory_space<semaphore_mem>>)
      %dma_wait3A_136 = tpu.memref_slice %arg2[%select_n3A, %mul3A_32] : memref<4x4096xi32, #tpu.memory_space<hbm>> -> memref<1x512xi32, #tpu.memory_space<hbm>>
      %dma_wait3A_137 = tpu.memref_squeeze %dma_wait3A_136 : memref<1x512xi32, #tpu.memory_space<hbm>> -> memref<512xi32, #tpu.memory_space<hbm>>
      %dma_wait3A_138 = tpu.memref_slice %arg2[%select_n3A, %mul3A_32] : memref<4x4096xi32, #tpu.memory_space<hbm>> -> memref<1x512xi32, #tpu.memory_space<hbm>>
      %dma_wait3A_139 = tpu.memref_squeeze %dma_wait3A_138 : memref<1x512xi32, #tpu.memory_space<hbm>> -> memref<512xi32, #tpu.memory_space<hbm>>
      tpu.wait_dma2 semaphore(%run_scoped3A : memref<!tpu.dma_semaphore, #tpu.memory_space<semaphore_mem>>) src(%dma_wait3A_139 : memref<512xi32, #tpu.memory_space<hbm>>) dst(%arg5 : memref<512xi32, #tpu.memory_space<vmem>>)
      tpu.yield
    }) : () -> ()
    %dma_start3A = arith.constant 0 : i32
    %dma_start3A_33 = tpu.memref_slice %arg5[%dma_start3A] : memref<512xi32, #tpu.memory_space<vmem>> -> memref<16xi32, #tpu.memory_space<vmem>>
    %dma_start3A_34 = arith.constant 0 : i32
    %dma_start3A_35 = arith.constant 0 : i32
    %dma_start3A_36 = tpu.memref_slice %arg3[%dma_start3A_34, %dma_start3A_35] : memref<100000x1024xf32, #tpu.memory_space<hbm>> -> memref<100000x1024xf32, #tpu.memory_space<hbm>>
    tpu.enqueue_indirect_dma source(%dma_start3A_36 : memref<100000x1024xf32, #tpu.memory_space<hbm>>) target(%arg6 : memref<16x1024xf32, #tpu.memory_space<vmem>>) offsets(%dma_start3A_33 : memref<16xi32, #tpu.memory_space<vmem>>) semaphore(%arg10 : memref<!tpu.dma_semaphore, #tpu.memory_space<semaphore_mem>>)
    %dma_start3A_37 = arith.constant 16 : i32
    %dma_start3A_38 = tpu.memref_slice %arg5[%dma_start3A_37] : memref<512xi32, #tpu.memory_space<vmem>> -> memref<16xi32, #tpu.memory_space<vmem>>
    %dma_start3A_39 = arith.constant 0 : i32
    %dma_start3A_40 = arith.constant 0 : i32
    %dma_start3A_41 = tpu.memref_slice %arg3[%dma_start3A_39, %dma_start3A_40] : memref<100000x1024xf32, #tpu.memory_space<hbm>> -> memref<100000x1024xf32, #tpu.memory_space<hbm>>
    tpu.enqueue_indirect_dma source(%dma_start3A_41 : memref<100000x1024xf32, #tpu.memory_space<hbm>>) target(%arg7 : memref<16x1024xf32, #tpu.memory_space<vmem>>) offsets(%dma_start3A_38 : memref<16xi32, #tpu.memory_space<vmem>>) semaphore(%arg11 : memref<!tpu.dma_semaphore, #tpu.memory_space<semaphore_mem>>)
    %dma_start3A_42 = arith.constant 32 : i32
    %dma_start3A_43 = tpu.memref_slice %arg5[%dma_start3A_42] : memref<512xi32, #tpu.memory_space<vmem>> -> memref<16xi32, #tpu.memory_space<vmem>>
    %dma_start3A_44 = arith.constant 0 : i32
    %dma_start3A_45 = arith.constant 0 : i32
    %dma_start3A_46 = tpu.memref_slice %arg3[%dma_start3A_44, %dma_start3A_45] : memref<100000x1024xf32, #tpu.memory_space<hbm>> -> memref<100000x1024xf32, #tpu.memory_space<hbm>>
    tpu.enqueue_indirect_dma source(%dma_start3A_46 : memref<100000x1024xf32, #tpu.memory_space<hbm>>) target(%arg8 : memref<16x1024xf32, #tpu.memory_space<vmem>>) offsets(%dma_start3A_43 : memref<16xi32, #tpu.memory_space<vmem>>) semaphore(%arg12 : memref<!tpu.dma_semaphore, #tpu.memory_space<semaphore_mem>>)
    %dma_start3A_47 = arith.constant 48 : i32
    %dma_start3A_48 = tpu.memref_slice %arg5[%dma_start3A_47] : memref<512xi32, #tpu.memory_space<vmem>> -> memref<16xi32, #tpu.memory_space<vmem>>
    %dma_start3A_49 = arith.constant 0 : i32
    %dma_start3A_50 = arith.constant 0 : i32
    %dma_start3A_51 = tpu.memref_slice %arg3[%dma_start3A_49, %dma_start3A_50] : memref<100000x1024xf32, #tpu.memory_space<hbm>> -> memref<100000x1024xf32, #tpu.memory_space<hbm>>
    tpu.enqueue_indirect_dma source(%dma_start3A_51 : memref<100000x1024xf32, #tpu.memory_space<hbm>>) target(%arg9 : memref<16x1024xf32, #tpu.memory_space<vmem>>) offsets(%dma_start3A_48 : memref<16xi32, #tpu.memory_space<vmem>>) semaphore(%arg13 : memref<!tpu.dma_semaphore, #tpu.memory_space<semaphore_mem>>)
    %dma_wait3A = arith.constant 0 : i32
    %dma_wait3A_52 = tpu.memref_slice %arg5[%dma_wait3A] : memref<512xi32, #tpu.memory_space<vmem>> -> memref<16xi32, #tpu.memory_space<vmem>>
    %dma_wait3A_53 = arith.constant 0 : i32
    %dma_wait3A_54 = arith.constant 0 : i32
    %dma_wait3A_55 = tpu.memref_slice %arg3[%dma_wait3A_53, %dma_wait3A_54] : memref<100000x1024xf32, #tpu.memory_space<hbm>> -> memref<100000x1024xf32, #tpu.memory_space<hbm>>
    tpu.wait_indirect_dma semaphore(%arg10 : memref<!tpu.dma_semaphore, #tpu.memory_space<semaphore_mem>>) src(%dma_wait3A_55 : memref<100000x1024xf32, #tpu.memory_space<hbm>>) dst(%arg6 : memref<16x1024xf32, #tpu.memory_space<vmem>>)
    %add3A_56 = arith.constant 0 : i32
    %add3A_57 = arith.addi %mul3A_32, %add3A_56 : i32
    %dma_start3A_58 = arith.constant 0 : i32
    %dma_start3A_59 = tpu.memref_slice %arg4[%select_n3A, %add3A_57, %dma_start3A_58] : memref<4x4096x1024xf32, #tpu.memory_space<hbm>> -> memref<1x16x1024xf32, #tpu.memory_space<hbm>>
    %dma_start3A_60 = tpu.memref_squeeze %dma_start3A_59 : memref<1x16x1024xf32, #tpu.memory_space<hbm>> -> memref<16x1024xf32, #tpu.memory_space<hbm>>
    %dma_start3A_61 = arith.constant 0 : i32
    %dma_start3A_62 = tpu.memref_slice %arg4[%select_n3A, %add3A_57, %dma_start3A_61] : memref<4x4096x1024xf32, #tpu.memory_space<hbm>> -> memref<1x16x1024xf32, #tpu.memory_space<hbm>>
    %dma_start3A_63 = tpu.memref_squeeze %dma_start3A_62 : memref<1x16x1024xf32, #tpu.memory_space<hbm>> -> memref<16x1024xf32, #tpu.memory_space<hbm>>
    tpu.enqueue_dma source(%arg6 : memref<16x1024xf32, #tpu.memory_space<vmem>>) target(%dma_start3A_63 : memref<16x1024xf32, #tpu.memory_space<hbm>>) target_semaphore(%arg14 : memref<!tpu.dma_semaphore, #tpu.memory_space<semaphore_mem>>)
    %scan3A = arith.constant 0 : i32
    %scan3A_64 = arith.constant 1 : i32
    %scan3A_65 = arith.constant 7 : i32
    %scan3A_66 = arith.addi %scan3A_64, %scan3A_65 : i32
    %scan3A_67 = arith.constant 1 : i32
    scf.for %scan3A_132 = %scan3A_64 to %scan3A_66 step %scan3A_67  : i32 {
      %mul3A_133 = arith.constant 4 : i32
      %mul3A_134 = arith.muli %scan3A_132, %mul3A_133 : i32
      %add3A_135 = arith.constant 0 : i32
      %add3A_136 = arith.addi %mul3A_134, %add3A_135 : i32
      %dma_wait3A_137 = arith.constant 0 : i32
      %dma_wait3A_138 = tpu.memref_slice %arg4[%select_n3A, %mul3A_32, %dma_wait3A_137] : memref<4x4096x1024xf32, #tpu.memory_space<hbm>> -> memref<1x16x1024xf32, #tpu.memory_space<hbm>>
      %dma_wait3A_139 = tpu.memref_squeeze %dma_wait3A_138 : memref<1x16x1024xf32, #tpu.memory_space<hbm>> -> memref<16x1024xf32, #tpu.memory_space<hbm>>
      %dma_wait3A_140 = arith.constant 0 : i32
      %dma_wait3A_141 = tpu.memref_slice %arg4[%select_n3A, %mul3A_32, %dma_wait3A_140] : memref<4x4096x1024xf32, #tpu.memory_space<hbm>> -> memref<1x16x1024xf32, #tpu.memory_space<hbm>>
      %dma_wait3A_142 = tpu.memref_squeeze %dma_wait3A_141 : memref<1x16x1024xf32, #tpu.memory_space<hbm>> -> memref<16x1024xf32, #tpu.memory_space<hbm>>
      tpu.wait_dma2 semaphore(%arg14 : memref<!tpu.dma_semaphore, #tpu.memory_space<semaphore_mem>>) src(%arg6 : memref<16x1024xf32, #tpu.memory_space<vmem>>) dst(%dma_wait3A_142 : memref<16x1024xf32, #tpu.memory_space<hbm>>)
      %mul3A_143 = arith.constant 16 : i32
      %mul3A_144 = arith.muli %add3A_136, %mul3A_143 : i32
      %dma_start3A_145 = tpu.memref_slice %arg5[%mul3A_144] : memref<512xi32, #tpu.memory_space<vmem>> -> memref<16xi32, #tpu.memory_space<vmem>>
      %dma_start3A_146 = arith.constant 0 : i32
      %dma_start3A_147 = arith.constant 0 : i32
      %dma_start3A_148 = tpu.memref_slice %arg3[%dma_start3A_146, %dma_start3A_147] : memref<100000x1024xf32, #tpu.memory_space<hbm>> -> memref<100000x1024xf32, #tpu.memory_space<hbm>>
      tpu.enqueue_indirect_dma source(%dma_start3A_148 : memref<100000x1024xf32, #tpu.memory_space<hbm>>) target(%arg6 : memref<16x1024xf32, #tpu.memory_space<vmem>>) offsets(%dma_start3A_145 : memref<16xi32, #tpu.memory_space<vmem>>) semaphore(%arg10 : memref<!tpu.dma_semaphore, #tpu.memory_space<semaphore_mem>>)
      %dma_wait3A_149 = arith.constant 0 : i32
      %dma_wait3A_150 = tpu.memref_slice %arg5[%dma_wait3A_149] : memref<512xi32, #tpu.memory_space<vmem>> -> memref<16xi32, #tpu.memory_space<vmem>>
      %dma_wait3A_151 = arith.constant 0 : i32
      %dma_wait3A_152 = arith.constant 0 : i32
      %dma_wait3A_153 = tpu.memref_slice %arg3[%dma_wait3A_151, %dma_wait3A_152] : memref<100000x1024xf32, #tpu.memory_space<hbm>> -> memref<100000x1024xf32, #tpu.memory_space<hbm>>
      tpu.wait_indirect_dma semaphore(%arg11 : memref<!tpu.dma_semaphore, #tpu.memory_space<semaphore_mem>>) src(%dma_wait3A_153 : memref<100000x1024xf32, #tpu.memory_space<hbm>>) dst(%arg7 : memref<16x1024xf32, #tpu.memory_space<vmem>>)
      %sub3A_154 = arith.constant 3 : i32
      %sub3A_155 = arith.subi %add3A_136, %sub3A_154 : i32
      %mul3A_156 = arith.constant 16 : i32
      %mul3A_157 = arith.muli %sub3A_155, %mul3A_156 : i32
      %add3A_158 = arith.addi %mul3A_32, %mul3A_157 : i32
      %dma_start3A_159 = arith.constant 0 : i32
      %dma_start3A_160 = tpu.memref_slice %arg4[%select_n3A, %add3A_158, %dma_start3A_159] : memref<4x4096x1024xf32, #tpu.memory_space<hbm>> -> memref<1x16x1024xf32, #tpu.memory_space<hbm>>
      %dma_start3A_161 = tpu.memref_squeeze %dma_start3A_160 : memref<1x16x1024xf32, #tpu.memory_space<hbm>> -> memref<16x1024xf32, #tpu.memory_space<hbm>>
      %dma_start3A_162 = arith.constant 0 : i32
      %dma_start3A_163 = tpu.memref_slice %arg4[%select_n3A, %add3A_158, %dma_start3A_162] : memref<4x4096x1024xf32, #tpu.memory_space<hbm>> -> memref<1x16x1024xf32, #tpu.memory_space<hbm>>
      %dma_start3A_164 = tpu.memref_squeeze %dma_start3A_163 : memref<1x16x1024xf32, #tpu.memory_space<hbm>> -> memref<16x1024xf32, #tpu.memory_space<hbm>>
      tpu.enqueue_dma source(%arg7 : memref<16x1024xf32, #tpu.memory_space<vmem>>) target(%dma_start3A_164 : memref<16x1024xf32, #tpu.memory_space<hbm>>) target_semaphore(%arg15 : memref<!tpu.dma_semaphore, #tpu.memory_space<semaphore_mem>>)
      %mul3A_165 = arith.constant 4 : i32
      %mul3A_166 = arith.muli %scan3A_132, %mul3A_165 : i32
      %add3A_167 = arith.constant 1 : i32
      %add3A_168 = arith.addi %mul3A_166, %add3A_167 : i32
      %dma_wait3A_169 = arith.constant 0 : i32
      %dma_wait3A_170 = tpu.memref_slice %arg4[%select_n3A, %mul3A_32, %dma_wait3A_169] : memref<4x4096x1024xf32, #tpu.memory_space<hbm>> -> memref<1x16x1024xf32, #tpu.memory_space<hbm>>
      %dma_wait3A_171 = tpu.memref_squeeze %dma_wait3A_170 : memref<1x16x1024xf32, #tpu.memory_space<hbm>> -> memref<16x1024xf32, #tpu.memory_space<hbm>>
      %dma_wait3A_172 = arith.constant 0 : i32
      %dma_wait3A_173 = tpu.memref_slice %arg4[%select_n3A, %mul3A_32, %dma_wait3A_172] : memref<4x4096x1024xf32, #tpu.memory_space<hbm>> -> memref<1x16x1024xf32, #tpu.memory_space<hbm>>
      %dma_wait3A_174 = tpu.memref_squeeze %dma_wait3A_173 : memref<1x16x1024xf32, #tpu.memory_space<hbm>> -> memref<16x1024xf32, #tpu.memory_space<hbm>>
      tpu.wait_dma2 semaphore(%arg15 : memref<!tpu.dma_semaphore, #tpu.memory_space<semaphore_mem>>) src(%arg7 : memref<16x1024xf32, #tpu.memory_space<vmem>>) dst(%dma_wait3A_174 : memref<16x1024xf32, #tpu.memory_space<hbm>>)
      %mul3A_175 = arith.constant 16 : i32
      %mul3A_176 = arith.muli %add3A_168, %mul3A_175 : i32
      %dma_start3A_177 = tpu.memref_slice %arg5[%mul3A_176] : memref<512xi32, #tpu.memory_space<vmem>> -> memref<16xi32, #tpu.memory_space<vmem>>
      %dma_start3A_178 = arith.constant 0 : i32
      %dma_start3A_179 = arith.constant 0 : i32
      %dma_start3A_180 = tpu.memref_slice %arg3[%dma_start3A_178, %dma_start3A_179] : memref<100000x1024xf32, #tpu.memory_space<hbm>> -> memref<100000x1024xf32, #tpu.memory_space<hbm>>
      tpu.enqueue_indirect_dma source(%dma_start3A_180 : memref<100000x1024xf32, #tpu.memory_space<hbm>>) target(%arg7 : memref<16x1024xf32, #tpu.memory_space<vmem>>) offsets(%dma_start3A_177 : memref<16xi32, #tpu.memory_space<vmem>>) semaphore(%arg11 : memref<!tpu.dma_semaphore, #tpu.memory_space<semaphore_mem>>)
      %dma_wait3A_181 = arith.constant 0 : i32
      %dma_wait3A_182 = tpu.memref_slice %arg5[%dma_wait3A_181] : memref<512xi32, #tpu.memory_space<vmem>> -> memref<16xi32, #tpu.memory_space<vmem>>
      %dma_wait3A_183 = arith.constant 0 : i32
      %dma_wait3A_184 = arith.constant 0 : i32
      %dma_wait3A_185 = tpu.memref_slice %arg3[%dma_wait3A_183, %dma_wait3A_184] : memref<100000x1024xf32, #tpu.memory_space<hbm>> -> memref<100000x1024xf32, #tpu.memory_space<hbm>>
      tpu.wait_indirect_dma semaphore(%arg12 : memref<!tpu.dma_semaphore, #tpu.memory_space<semaphore_mem>>) src(%dma_wait3A_185 : memref<100000x1024xf32, #tpu.memory_space<hbm>>) dst(%arg8 : memref<16x1024xf32, #tpu.memory_space<vmem>>)
      %sub3A_186 = arith.constant 3 : i32
      %sub3A_187 = arith.subi %add3A_168, %sub3A_186 : i32
      %mul3A_188 = arith.constant 16 : i32
      %mul3A_189 = arith.muli %sub3A_187, %mul3A_188 : i32
      %add3A_190 = arith.addi %mul3A_32, %mul3A_189 : i32
      %dma_start3A_191 = arith.constant 0 : i32
      %dma_start3A_192 = tpu.memref_slice %arg4[%select_n3A, %add3A_190, %dma_start3A_191] : memref<4x4096x1024xf32, #tpu.memory_space<hbm>> -> memref<1x16x1024xf32, #tpu.memory_space<hbm>>
      %dma_start3A_193 = tpu.memref_squeeze %dma_start3A_192 : memref<1x16x1024xf32, #tpu.memory_space<hbm>> -> memref<16x1024xf32, #tpu.memory_space<hbm>>
      %dma_start3A_194 = arith.constant 0 : i32
      %dma_start3A_195 = tpu.memref_slice %arg4[%select_n3A, %add3A_190, %dma_start3A_194] : memref<4x4096x1024xf32, #tpu.memory_space<hbm>> -> memref<1x16x1024xf32, #tpu.memory_space<hbm>>
      %dma_start3A_196 = tpu.memref_squeeze %dma_start3A_195 : memref<1x16x1024xf32, #tpu.memory_space<hbm>> -> memref<16x1024xf32, #tpu.memory_space<hbm>>
      tpu.enqueue_dma source(%arg8 : memref<16x1024xf32, #tpu.memory_space<vmem>>) target(%dma_start3A_196 : memref<16x1024xf32, #tpu.memory_space<hbm>>) target_semaphore(%arg16 : memref<!tpu.dma_semaphore, #tpu.memory_space<semaphore_mem>>)
      %mul3A_197 = arith.constant 4 : i32
      %mul3A_198 = arith.muli %scan3A_132, %mul3A_197 : i32
      %add3A_199 = arith.constant 2 : i32
      %add3A_200 = arith.addi %mul3A_198, %add3A_199 : i32
      %dma_wait3A_201 = arith.constant 0 : i32
      %dma_wait3A_202 = tpu.memref_slice %arg4[%select_n3A, %mul3A_32, %dma_wait3A_201] : memref<4x4096x1024xf32, #tpu.memory_space<hbm>> -> memref<1x16x1024xf32, #tpu.memory_space<hbm>>
      %dma_wait3A_203 = tpu.memref_squeeze %dma_wait3A_202 : memref<1x16x1024xf32, #tpu.memory_space<hbm>> -> memref<16x1024xf32, #tpu.memory_space<hbm>>
      %dma_wait3A_204 = arith.constant 0 : i32
      %dma_wait3A_205 = tpu.memref_slice %arg4[%select_n3A, %mul3A_32, %dma_wait3A_204] : memref<4x4096x1024xf32, #tpu.memory_space<hbm>> -> memref<1x16x1024xf32, #tpu.memory_space<hbm>>
      %dma_wait3A_206 = tpu.memref_squeeze %dma_wait3A_205 : memref<1x16x1024xf32, #tpu.memory_space<hbm>> -> memref<16x1024xf32, #tpu.memory_space<hbm>>
      tpu.wait_dma2 semaphore(%arg16 : memref<!tpu.dma_semaphore, #tpu.memory_space<semaphore_mem>>) src(%arg8 : memref<16x1024xf32, #tpu.memory_space<vmem>>) dst(%dma_wait3A_206 : memref<16x1024xf32, #tpu.memory_space<hbm>>)
      %mul3A_207 = arith.constant 16 : i32
      %mul3A_208 = arith.muli %add3A_200, %mul3A_207 : i32
      %dma_start3A_209 = tpu.memref_slice %arg5[%mul3A_208] : memref<512xi32, #tpu.memory_space<vmem>> -> memref<16xi32, #tpu.memory_space<vmem>>
      %dma_start3A_210 = arith.constant 0 : i32
      %dma_start3A_211 = arith.constant 0 : i32
      %dma_start3A_212 = tpu.memref_slice %arg3[%dma_start3A_210, %dma_start3A_211] : memref<100000x1024xf32, #tpu.memory_space<hbm>> -> memref<100000x1024xf32, #tpu.memory_space<hbm>>
      tpu.enqueue_indirect_dma source(%dma_start3A_212 : memref<100000x1024xf32, #tpu.memory_space<hbm>>) target(%arg8 : memref<16x1024xf32, #tpu.memory_space<vmem>>) offsets(%dma_start3A_209 : memref<16xi32, #tpu.memory_space<vmem>>) semaphore(%arg12 : memref<!tpu.dma_semaphore, #tpu.memory_space<semaphore_mem>>)
      %dma_wait3A_213 = arith.constant 0 : i32
      %dma_wait3A_214 = tpu.memref_slice %arg5[%dma_wait3A_213] : memref<512xi32, #tpu.memory_space<vmem>> -> memref<16xi32, #tpu.memory_space<vmem>>
      %dma_wait3A_215 = arith.constant 0 : i32
      %dma_wait3A_216 = arith.constant 0 : i32
      %dma_wait3A_217 = tpu.memref_slice %arg3[%dma_wait3A_215, %dma_wait3A_216] : memref<100000x1024xf32, #tpu.memory_space<hbm>> -> memref<100000x1024xf32, #tpu.memory_space<hbm>>
      tpu.wait_indirect_dma semaphore(%arg13 : memref<!tpu.dma_semaphore, #tpu.memory_space<semaphore_mem>>) src(%dma_wait3A_217 : memref<100000x1024xf32, #tpu.memory_space<hbm>>) dst(%arg9 : memref<16x1024xf32, #tpu.memory_space<vmem>>)
      %sub3A_218 = arith.constant 3 : i32
      %sub3A_219 = arith.subi %add3A_200, %sub3A_218 : i32
      %mul3A_220 = arith.constant 16 : i32
      %mul3A_221 = arith.muli %sub3A_219, %mul3A_220 : i32
      %add3A_222 = arith.addi %mul3A_32, %mul3A_221 : i32
      %dma_start3A_223 = arith.constant 0 : i32
      %dma_start3A_224 = tpu.memref_slice %arg4[%select_n3A, %add3A_222, %dma_start3A_223] : memref<4x4096x1024xf32, #tpu.memory_space<hbm>> -> memref<1x16x1024xf32, #tpu.memory_space<hbm>>
      %dma_start3A_225 = tpu.memref_squeeze %dma_start3A_224 : memref<1x16x1024xf32, #tpu.memory_space<hbm>> -> memref<16x1024xf32, #tpu.memory_space<hbm>>
      %dma_start3A_226 = arith.constant 0 : i32
      %dma_start3A_227 = tpu.memref_slice %arg4[%select_n3A, %add3A_222, %dma_start3A_226] : memref<4x4096x1024xf32, #tpu.memory_space<hbm>> -> memref<1x16x1024xf32, #tpu.memory_space<hbm>>
      %dma_start3A_228 = tpu.memref_squeeze %dma_start3A_227 : memref<1x16x1024xf32, #tpu.memory_space<hbm>> -> memref<16x1024xf32, #tpu.memory_space<hbm>>
      tpu.enqueue_dma source(%arg9 : memref<16x1024xf32, #tpu.memory_space<vmem>>) target(%dma_start3A_228 : memref<16x1024xf32, #tpu.memory_space<hbm>>) target_semaphore(%arg17 : memref<!tpu.dma_semaphore, #tpu.memory_space<semaphore_mem>>)
      %mul3A_229 = arith.constant 4 : i32
      %mul3A_230 = arith.muli %scan3A_132, %mul3A_229 : i32
      %add3A_231 = arith.constant 3 : i32
      %add3A_232 = arith.addi %mul3A_230, %add3A_231 : i32
      %dma_wait3A_233 = arith.constant 0 : i32
      %dma_wait3A_234 = tpu.memref_slice %arg4[%select_n3A, %mul3A_32, %dma_wait3A_233] : memref<4x4096x1024xf32, #tpu.memory_space<hbm>> -> memref<1x16x1024xf32, #tpu.memory_space<hbm>>
      %dma_wait3A_235 = tpu.memref_squeeze %dma_wait3A_234 : memref<1x16x1024xf32, #tpu.memory_space<hbm>> -> memref<16x1024xf32, #tpu.memory_space<hbm>>
      %dma_wait3A_236 = arith.constant 0 : i32
      %dma_wait3A_237 = tpu.memref_slice %arg4[%select_n3A, %mul3A_32, %dma_wait3A_236] : memref<4x4096x1024xf32, #tpu.memory_space<hbm>> -> memref<1x16x1024xf32, #tpu.memory_space<hbm>>
      %dma_wait3A_238 = tpu.memref_squeeze %dma_wait3A_237 : memref<1x16x1024xf32, #tpu.memory_space<hbm>> -> memref<16x1024xf32, #tpu.memory_space<hbm>>
      tpu.wait_dma2 semaphore(%arg17 : memref<!tpu.dma_semaphore, #tpu.memory_space<semaphore_mem>>) src(%arg9 : memref<16x1024xf32, #tpu.memory_space<vmem>>) dst(%dma_wait3A_238 : memref<16x1024xf32, #tpu.memory_space<hbm>>)
      %mul3A_239 = arith.constant 16 : i32
      %mul3A_240 = arith.muli %add3A_232, %mul3A_239 : i32
      %dma_start3A_241 = tpu.memref_slice %arg5[%mul3A_240] : memref<512xi32, #tpu.memory_space<vmem>> -> memref<16xi32, #tpu.memory_space<vmem>>
      %dma_start3A_242 = arith.constant 0 : i32
      %dma_start3A_243 = arith.constant 0 : i32
      %dma_start3A_244 = tpu.memref_slice %arg3[%dma_start3A_242, %dma_start3A_243] : memref<100000x1024xf32, #tpu.memory_space<hbm>> -> memref<100000x1024xf32, #tpu.memory_space<hbm>>
      tpu.enqueue_indirect_dma source(%dma_start3A_244 : memref<100000x1024xf32, #tpu.memory_space<hbm>>) target(%arg9 : memref<16x1024xf32, #tpu.memory_space<vmem>>) offsets(%dma_start3A_241 : memref<16xi32, #tpu.memory_space<vmem>>) semaphore(%arg13 : memref<!tpu.dma_semaphore, #tpu.memory_space<semaphore_mem>>)
      %dma_wait3A_245 = arith.constant 0 : i32
      %dma_wait3A_246 = tpu.memref_slice %arg5[%dma_wait3A_245] : memref<512xi32, #tpu.memory_space<vmem>> -> memref<16xi32, #tpu.memory_space<vmem>>
      %dma_wait3A_247 = arith.constant 0 : i32
      %dma_wait3A_248 = arith.constant 0 : i32
      %dma_wait3A_249 = tpu.memref_slice %arg3[%dma_wait3A_247, %dma_wait3A_248] : memref<100000x1024xf32, #tpu.memory_space<hbm>> -> memref<100000x1024xf32, #tpu.memory_space<hbm>>
      tpu.wait_indirect_dma semaphore(%arg10 : memref<!tpu.dma_semaphore, #tpu.memory_space<semaphore_mem>>) src(%dma_wait3A_249 : memref<100000x1024xf32, #tpu.memory_space<hbm>>) dst(%arg6 : memref<16x1024xf32, #tpu.memory_space<vmem>>)
      %sub3A_250 = arith.constant 3 : i32
      %sub3A_251 = arith.subi %add3A_232, %sub3A_250 : i32
      %mul3A_252 = arith.constant 16 : i32
      %mul3A_253 = arith.muli %sub3A_251, %mul3A_252 : i32
      %add3A_254 = arith.addi %mul3A_32, %mul3A_253 : i32
      %dma_start3A_255 = arith.constant 0 : i32
      %dma_start3A_256 = tpu.memref_slice %arg4[%select_n3A, %add3A_254, %dma_start3A_255] : memref<4x4096x1024xf32, #tpu.memory_space<hbm>> -> memref<1x16x1024xf32, #tpu.memory_space<hbm>>
      %dma_start3A_257 = tpu.memref_squeeze %dma_start3A_256 : memref<1x16x1024xf32, #tpu.memory_space<hbm>> -> memref<16x1024xf32, #tpu.memory_space<hbm>>
      %dma_start3A_258 = arith.constant 0 : i32
      %dma_start3A_259 = tpu.memref_slice %arg4[%select_n3A, %add3A_254, %dma_start3A_258] : memref<4x4096x1024xf32, #tpu.memory_space<hbm>> -> memref<1x16x1024xf32, #tpu.memory_space<hbm>>
      %dma_start3A_260 = tpu.memref_squeeze %dma_start3A_259 : memref<1x16x1024xf32, #tpu.memory_space<hbm>> -> memref<16x1024xf32, #tpu.memory_space<hbm>>
      tpu.enqueue_dma source(%arg6 : memref<16x1024xf32, #tpu.memory_space<vmem>>) target(%dma_start3A_260 : memref<16x1024xf32, #tpu.memory_space<hbm>>) target_semaphore(%arg14 : memref<!tpu.dma_semaphore, #tpu.memory_space<semaphore_mem>>)
    }
    %scan3A_68 = arith.constant 7 : i32
    %dma_wait3A_69 = arith.constant 0 : i32
    %dma_wait3A_70 = tpu.memref_slice %arg5[%dma_wait3A_69] : memref<512xi32, #tpu.memory_space<vmem>> -> memref<16xi32, #tpu.memory_space<vmem>>
    %dma_wait3A_71 = arith.constant 0 : i32
    %dma_wait3A_72 = arith.constant 0 : i32
    %dma_wait3A_73 = tpu.memref_slice %arg3[%dma_wait3A_71, %dma_wait3A_72] : memref<100000x1024xf32, #tpu.memory_space<hbm>> -> memref<100000x1024xf32, #tpu.memory_space<hbm>>
    tpu.wait_indirect_dma semaphore(%arg11 : memref<!tpu.dma_semaphore, #tpu.memory_space<semaphore_mem>>) src(%dma_wait3A_73 : memref<100000x1024xf32, #tpu.memory_space<hbm>>) dst(%arg7 : memref<16x1024xf32, #tpu.memory_space<vmem>>)
    %add3A_74 = arith.constant 464 : i32
    %add3A_75 = arith.addi %mul3A_32, %add3A_74 : i32
    %dma_start3A_76 = arith.constant 0 : i32
    %dma_start3A_77 = tpu.memref_slice %arg4[%select_n3A, %add3A_75, %dma_start3A_76] : memref<4x4096x1024xf32, #tpu.memory_space<hbm>> -> memref<1x16x1024xf32, #tpu.memory_space<hbm>>
    %dma_start3A_78 = tpu.memref_squeeze %dma_start3A_77 : memref<1x16x1024xf32, #tpu.memory_space<hbm>> -> memref<16x1024xf32, #tpu.memory_space<hbm>>
    %dma_start3A_79 = arith.constant 0 : i32
    %dma_start3A_80 = tpu.memref_slice %arg4[%select_n3A, %add3A_75, %dma_start3A_79] : memref<4x4096x1024xf32, #tpu.memory_space<hbm>> -> memref<1x16x1024xf32, #tpu.memory_space<hbm>>
    %dma_start3A_81 = tpu.memref_squeeze %dma_start3A_80 : memref<1x16x1024xf32, #tpu.memory_space<hbm>> -> memref<16x1024xf32, #tpu.memory_space<hbm>>
    tpu.enqueue_dma source(%arg7 : memref<16x1024xf32, #tpu.memory_space<vmem>>) target(%dma_start3A_81 : memref<16x1024xf32, #tpu.memory_space<hbm>>) target_semaphore(%arg15 : memref<!tpu.dma_semaphore, #tpu.memory_space<semaphore_mem>>)
    %dma_wait3A_82 = arith.constant 0 : i32
    %dma_wait3A_83 = tpu.memref_slice %arg5[%dma_wait3A_82] : memref<512xi32, #tpu.memory_space<vmem>> -> memref<16xi32, #tpu.memory_space<vmem>>
    %dma_wait3A_84 = arith.constant 0 : i32
    %dma_wait3A_85 = arith.constant 0 : i32
    %dma_wait3A_86 = tpu.memref_slice %arg3[%dma_wait3A_84, %dma_wait3A_85] : memref<100000x1024xf32, #tpu.memory_space<hbm>> -> memref<100000x1024xf32, #tpu.memory_space<hbm>>
    tpu.wait_indirect_dma semaphore(%arg12 : memref<!tpu.dma_semaphore, #tpu.memory_space<semaphore_mem>>) src(%dma_wait3A_86 : memref<100000x1024xf32, #tpu.memory_space<hbm>>) dst(%arg8 : memref<16x1024xf32, #tpu.memory_space<vmem>>)
    %add3A_87 = arith.constant 480 : i32
    %add3A_88 = arith.addi %mul3A_32, %add3A_87 : i32
    %dma_start3A_89 = arith.constant 0 : i32
    %dma_start3A_90 = tpu.memref_slice %arg4[%select_n3A, %add3A_88, %dma_start3A_89] : memref<4x4096x1024xf32, #tpu.memory_space<hbm>> -> memref<1x16x1024xf32, #tpu.memory_space<hbm>>
    %dma_start3A_91 = tpu.memref_squeeze %dma_start3A_90 : memref<1x16x1024xf32, #tpu.memory_space<hbm>> -> memref<16x1024xf32, #tpu.memory_space<hbm>>
    %dma_start3A_92 = arith.constant 0 : i32
    %dma_start3A_93 = tpu.memref_slice %arg4[%select_n3A, %add3A_88, %dma_start3A_92] : memref<4x4096x1024xf32, #tpu.memory_space<hbm>> -> memref<1x16x1024xf32, #tpu.memory_space<hbm>>
    %dma_start3A_94 = tpu.memref_squeeze %dma_start3A_93 : memref<1x16x1024xf32, #tpu.memory_space<hbm>> -> memref<16x1024xf32, #tpu.memory_space<hbm>>
    tpu.enqueue_dma source(%arg8 : memref<16x1024xf32, #tpu.memory_space<vmem>>) target(%dma_start3A_94 : memref<16x1024xf32, #tpu.memory_space<hbm>>) target_semaphore(%arg16 : memref<!tpu.dma_semaphore, #tpu.memory_space<semaphore_mem>>)
    %dma_wait3A_95 = arith.constant 0 : i32
    %dma_wait3A_96 = tpu.memref_slice %arg5[%dma_wait3A_95] : memref<512xi32, #tpu.memory_space<vmem>> -> memref<16xi32, #tpu.memory_space<vmem>>
    %dma_wait3A_97 = arith.constant 0 : i32
    %dma_wait3A_98 = arith.constant 0 : i32
    %dma_wait3A_99 = tpu.memref_slice %arg3[%dma_wait3A_97, %dma_wait3A_98] : memref<100000x1024xf32, #tpu.memory_space<hbm>> -> memref<100000x1024xf32, #tpu.memory_space<hbm>>
    tpu.wait_indirect_dma semaphore(%arg13 : memref<!tpu.dma_semaphore, #tpu.memory_space<semaphore_mem>>) src(%dma_wait3A_99 : memref<100000x1024xf32, #tpu.memory_space<hbm>>) dst(%arg9 : memref<16x1024xf32, #tpu.memory_space<vmem>>)
    %add3A_100 = arith.constant 496 : i32
    %add3A_101 = arith.addi %mul3A_32, %add3A_100 : i32
    %dma_start3A_102 = arith.constant 0 : i32
    %dma_start3A_103 = tpu.memref_slice %arg4[%select_n3A, %add3A_101, %dma_start3A_102] : memref<4x4096x1024xf32, #tpu.memory_space<hbm>> -> memref<1x16x1024xf32, #tpu.memory_space<hbm>>
    %dma_start3A_104 = tpu.memref_squeeze %dma_start3A_103 : memref<1x16x1024xf32, #tpu.memory_space<hbm>> -> memref<16x1024xf32, #tpu.memory_space<hbm>>
    %dma_start3A_105 = arith.constant 0 : i32
    %dma_start3A_106 = tpu.memref_slice %arg4[%select_n3A, %add3A_101, %dma_start3A_105] : memref<4x4096x1024xf32, #tpu.memory_space<hbm>> -> memref<1x16x1024xf32, #tpu.memory_space<hbm>>
    %dma_start3A_107 = tpu.memref_squeeze %dma_start3A_106 : memref<1x16x1024xf32, #tpu.memory_space<hbm>> -> memref<16x1024xf32, #tpu.memory_space<hbm>>
    tpu.enqueue_dma source(%arg9 : memref<16x1024xf32, #tpu.memory_space<vmem>>) target(%dma_start3A_107 : memref<16x1024xf32, #tpu.memory_space<hbm>>) target_semaphore(%arg17 : memref<!tpu.dma_semaphore, #tpu.memory_space<semaphore_mem>>)
    %dma_wait3A_108 = arith.constant 0 : i32
    %dma_wait3A_109 = tpu.memref_slice %arg4[%select_n3A, %mul3A_32, %dma_wait3A_108] : memref<4x4096x1024xf32, #tpu.memory_space<hbm>> -> memref<1x16x1024xf32, #tpu.memory_space<hbm>>
    %dma_wait3A_110 = tpu.memref_squeeze %dma_wait3A_109 : memref<1x16x1024xf32, #tpu.memory_space<hbm>> -> memref<16x1024xf32, #tpu.memory_space<hbm>>
    %dma_wait3A_111 = arith.constant 0 : i32
    %dma_wait3A_112 = tpu.memref_slice %arg4[%select_n3A, %mul3A_32, %dma_wait3A_111] : memref<4x4096x1024xf32, #tpu.memory_space<hbm>> -> memref<1x16x1024xf32, #tpu.memory_space<hbm>>
    %dma_wait3A_113 = tpu.memref_squeeze %dma_wait3A_112 : memref<1x16x1024xf32, #tpu.memory_space<hbm>> -> memref<16x1024xf32, #tpu.memory_space<hbm>>
    tpu.wait_dma2 semaphore(%arg14 : memref<!tpu.dma_semaphore, #tpu.memory_space<semaphore_mem>>) src(%arg6 : memref<16x1024xf32, #tpu.memory_space<vmem>>) dst(%dma_wait3A_113 : memref<16x1024xf32, #tpu.memory_space<hbm>>)
    %dma_wait3A_114 = arith.constant 0 : i32
    %dma_wait3A_115 = tpu.memref_slice %arg4[%select_n3A, %mul3A_32, %dma_wait3A_114] : memref<4x4096x1024xf32, #tpu.memory_space<hbm>> -> memref<1x16x1024xf32, #tpu.memory_space<hbm>>
    %dma_wait3A_116 = tpu.memref_squeeze %dma_wait3A_115 : memref<1x16x1024xf32, #tpu.memory_space<hbm>> -> memref<16x1024xf32, #tpu.memory_space<hbm>>
    %dma_wait3A_117 = arith.constant 0 : i32
    %dma_wait3A_118 = tpu.memref_slice %arg4[%select_n3A, %mul3A_32, %dma_wait3A_117] : memref<4x4096x1024xf32, #tpu.memory_space<hbm>> -> memref<1x16x1024xf32, #tpu.memory_space<hbm>>
    %dma_wait3A_119 = tpu.memref_squeeze %dma_wait3A_118 : memref<1x16x1024xf32, #tpu.memory_space<hbm>> -> memref<16x1024xf32, #tpu.memory_space<hbm>>
    tpu.wait_dma2 semaphore(%arg15 : memref<!tpu.dma_semaphore, #tpu.memory_space<semaphore_mem>>) src(%arg7 : memref<16x1024xf32, #tpu.memory_space<vmem>>) dst(%dma_wait3A_119 : memref<16x1024xf32, #tpu.memory_space<hbm>>)
    %dma_wait3A_120 = arith.constant 0 : i32
    %dma_wait3A_121 = tpu.memref_slice %arg4[%select_n3A, %mul3A_32, %dma_wait3A_120] : memref<4x4096x1024xf32, #tpu.memory_space<hbm>> -> memref<1x16x1024xf32, #tpu.memory_space<hbm>>
    %dma_wait3A_122 = tpu.memref_squeeze %dma_wait3A_121 : memref<1x16x1024xf32, #tpu.memory_space<hbm>> -> memref<16x1024xf32, #tpu.memory_space<hbm>>
    %dma_wait3A_123 = arith.constant 0 : i32
    %dma_wait3A_124 = tpu.memref_slice %arg4[%select_n3A, %mul3A_32, %dma_wait3A_123] : memref<4x4096x1024xf32, #tpu.memory_space<hbm>> -> memref<1x16x1024xf32, #tpu.memory_space<hbm>>
    %dma_wait3A_125 = tpu.memref_squeeze %dma_wait3A_124 : memref<1x16x1024xf32, #tpu.memory_space<hbm>> -> memref<16x1024xf32, #tpu.memory_space<hbm>>
    tpu.wait_dma2 semaphore(%arg16 : memref<!tpu.dma_semaphore, #tpu.memory_space<semaphore_mem>>) src(%arg8 : memref<16x1024xf32, #tpu.memory_space<vmem>>) dst(%dma_wait3A_125 : memref<16x1024xf32, #tpu.memory_space<hbm>>)
    %dma_wait3A_126 = arith.constant 0 : i32
    %dma_wait3A_127 = tpu.memref_slice %arg4[%select_n3A, %mul3A_32, %dma_wait3A_126] : memref<4x4096x1024xf32, #tpu.memory_space<hbm>> -> memref<1x16x1024xf32, #tpu.memory_space<hbm>>
    %dma_wait3A_128 = tpu.memref_squeeze %dma_wait3A_127 : memref<1x16x1024xf32, #tpu.memory_space<hbm>> -> memref<16x1024xf32, #tpu.memory_space<hbm>>
    %dma_wait3A_129 = arith.constant 0 : i32
    %dma_wait3A_130 = tpu.memref_slice %arg4[%select_n3A, %mul3A_32, %dma_wait3A_129] : memref<4x4096x1024xf32, #tpu.memory_space<hbm>> -> memref<1x16x1024xf32, #tpu.memory_space<hbm>>
    %dma_wait3A_131 = tpu.memref_squeeze %dma_wait3A_130 : memref<1x16x1024xf32, #tpu.memory_space<hbm>> -> memref<16x1024xf32, #tpu.memory_space<hbm>>
    tpu.wait_dma2 semaphore(%arg17 : memref<!tpu.dma_semaphore, #tpu.memory_space<semaphore_mem>>) src(%arg9 : memref<16x1024xf32, #tpu.memory_space<vmem>>) dst(%dma_wait3A_131 : memref<16x1024xf32, #tpu.memory_space<hbm>>)
    return
  }
}

</mosaic_0001>

<sc_bundles>
// kernel: kernel.3.cloned.1.call-start
scs
__scs_entry_jumppad:
0x0: {  	(pc) =	sbr.rel $0x88, $3  }
0x1: {  	(tag) =	ssettag $0x0;
	lr =	simm.s32 $0x1  }
0x2: {  	[smem:$0x3F9F] =	sst lr;
	_ =	strace $0xD0000000  }
0x3: {  	_ = 	snop  }
0x4: {  	_ = 	snop  }
0x5: {  	_ = 	snop  }
0x6: {  	_ = 	snop  }
0x7: {  	_ = 	snop  }
__scs_overlays_trampoline_lowered:
0x8: {  	[smem:$0x3FAE] =	sst s0  }
0x9: {  	[smem:$0x3FAF] =	sst s1  }
0xa: {  	[smem:$0x3FB0] =	sst s2  }
0xb: {  	[smem:$0x3FB1] =	sst s3  }
0xc: {  	[smem:$0x3FB2] =	sst s4  }
0xd: {  	[smem:$0x3FB3] =	sst s5  }
0xe: {  	[smem:$0x3FB4] =	sst s6  }
0xf: {  	[smem:$0x3FB5] =	sst s7  }
0x10: {  	[smem:$0x3FB6] =	sst s8  }
0x11: {  	[smem:$0x3FB7] =	sst s9;
	s0 =	simm.s32 @!p0 $0x0  }
0x12: {  	s1 =	sld [smem:$0x3F9D];
	s0 =	simm.s32 @p0 $0x1  }
0x13: {  	[smem:$0x3FB8] =	sst s0;
	s0 =	simm.s32 @!p1 $0x0  }
0x14: {  	s2 =	sld [smem:$0x3F9C];
	s0 =	simm.s32 @p1 $0x1  }
0x15: {  	[smem:$0x3FB9] =	sst s0;
	s0 =	simm.s32 @!p2 $0x0  }
0x16: {  	s3 =	sld [smem:$0x3FDB];
	s0 =	simm.s32 @p2 $0x1  }
0x17: {  	s4 =	simm.s32 $0x1BF5;
	[smem:$0x3FBB] =	sst s0  }
0x18: {  	s0 =	sld [smem:$0x3F9E];
	_ =	swait.ge [sflag:s4], $0x0  }
0x19: {  	s7 =	sld [smem:$0x3F9F]  }
0x1a: {  	s8 =	sadd.s32 $0xFFFFE003, lr  }
0x1b: {  	s9 =	sadd.s32 $0xFFFFFEF7, lr;
	s5 =	simm.s32 $0xFFFFFFFF;
	p2 =	slt.u32 s8, $0xFFFFF086  }
0x1c: {  	p1 =	slt.u32 s9, $0xF7A;
	s5 =	simm.s32 @!p2 $0x0  }
0x1d: {  	s5 =	simm.s32 @p1 $0x1;
	p0 =	seq.s32 s7, s2  }
0x1e: {  	s7 =	smul.u32 @!p0 $0xF7A, s2;
	p2 =	seq.s32 @!p0 s5, $0x0  }
0x1f: {  	s9 =	smul.u32 $0xF7A, s1;
	s8 =	simm.s32 @!p0 $0x1BF5;
	p2 =	por !p2, p0  }
0x20: {  	[sflag:s8] =	ssyncset.s32 @!p0 $0xFFFFF086;
	s6 =	sadd.s32 @!p0 s3, s7;
	s7 =	simm.s32 @!p0 $0x108  }
0x21: {  	s3 =	sadd.s32 s3, s9;
	s6 =	sadd.s32 @!p0 $0x88, s6;
	s7 =	simm.s32 @p2 $0x1082  }
0x22: {  	[simem:s7], [sflag:s8] =	dma.local @!p0 [hbm:s6], $0xF7A  }
0x23: {  	s9 =	sor.u32 $0xD0000000, s2;
	s6 =	simm.s32 $0x108;
	_ =	swait.ge @!p0 [sflag:s8], $0x0  }
0x24: {  	s3 =	sadd.s32 $0x88, s3;
	s6 =	simm.s32 @!p1 $0x1082;
	[sflag:s4] =	ssyncset.s32 $0xFFFFF086  }
0x25: {  	[simem:s6], [sflag:s4] =	dma.local [hbm:s3], $0xF7A  }
0x26: {  	[smem:$0x3F9F] =	sst s1;
	(tag) =	ssettag s2;
	_ =	strace s9  }
0x27: {  	s1 =	sld [smem:$0x3FAF]  }
0x28: {  	s2 =	sld [smem:$0x3FB0]  }
0x29: {  	s4 =	sld [smem:$0x3FB2]  }
0x2a: {  	p0 =	seq.s32 s5, $0x0;
	s5 =	sld [smem:$0x3FB3]  }
0x2b: {  	s6 =	sld [smem:$0x3FB4]  }
0x2c: {  	s7 =	sld [smem:$0x3FB5]  }
0x2d: {  	s3 =	simm.s32 $0x108;
	s8 =	sld [smem:$0x3FB6]  }
0x2e: {  	s3 =	simm.s32 @!p0 $0x1082;
	s9 =	sld [smem:$0x3FB7]  }
0x2f: {  	lr =	sadd.s32 s0, s3;
	s0 =	sld [smem:$0x3FAE]  }
0x30: {  	s3 =	sld [smem:$0x3FB1]  }
0x31: {  	[smem:$0x3FBA] =	sst s10  }
0x32: {  	s10 =	sld [smem:$0x3FB8];
	_ =	sdelay $0x3  }
0x33: {  	p0 =	seq.s32 s10, $0x1;
	s10 =	sld [smem:$0x3FBA];
	_ =	sdelay $0x3  }
0x34: {  	[smem:$0x3FBA] =	sst s10  }
0x35: {  	s10 =	sld [smem:$0x3FB9];
	_ =	sdelay $0x3  }
0x36: {  	p1 =	seq.s32 s10, $0x1;
	s10 =	sld [smem:$0x3FBA];
	_ =	sdelay $0x3  }
0x37: {  	[smem:$0x3FBA] =	sst s10  }
0x38: {  	s10 =	sld [smem:$0x3FBB]  }
0x39: {  	_ = 	snop;
	(pc) =	sbr.ind lr, $3  }
0x3a: {  	_ = 	snop  }
0x3b: {  	_ = 	snop  }
0x3c: {  	p2 =	seq.s32 s10, $0x1;
	s10 =	sld [smem:$0x3FBA]  }
0x3d: {  	_ =	shalt  }
0x3e: {  	_ =	shalt  }
0x3f: {  	_ =	shalt  }
0x40: {  	_ =	shalt  }
0x41: {  	_ =	shalt  }
0x42: {  	_ =	shalt  }
0x43: {  	_ =	shalt  }
0x44: {  	_ =	shalt  }
0x45: {  	_ =	shalt  }
0x46: {  	_ =	shalt  }
0x47: {  	_ =	shalt  }
0x48: {  	_ =	shalt  }
0x49: {  	_ =	shalt  }
0x4a: {  	_ =	shalt  }
0x4b: {  	_ =	shalt  }
0x4c: {  	_ =	shalt  }
0x4d: {  	_ =	shalt  }
0x4e: {  	_ =	shalt  }
0x4f: {  	_ =	shalt  }
0x50: {  	_ =	shalt  }
0x51: {  	_ =	shalt  }
0x52: {  	_ =	shalt  }
0x53: {  	_ =	shalt  }
0x54: {  	_ =	shalt  }
0x55: {  	_ =	shalt  }
0x56: {  	_ =	shalt  }
0x57: {  	_ =	shalt  }
0x58: {  	_ =	shalt  }
0x59: {  	_ =	shalt  }
0x5a: {  	_ =	shalt  }
0x5b: {  	_ =	shalt  }
0x5c: {  	_ =	shalt  }
0x5d: {  	_ =	shalt  }
0x5e: {  	_ =	shalt  }
0x5f: {  	_ =	shalt  }
0x60: {  	_ =	shalt  }
0x61: {  	_ =	shalt  }
0x62: {  	_ =	shalt  }
0x63: {  	_ =	shalt  }
0x64: {  	_ =	shalt  }
0x65: {  	_ =	shalt  }
0x66: {  	_ =	shalt  }
0x67: {  	_ =	shalt  }
0x68: {  	_ =	shalt  }
0x69: {  	_ =	shalt  }
0x6a: {  	_ =	shalt  }
0x6b: {  	_ =	shalt  }
0x6c: {  	_ =	shalt  }
0x6d: {  	_ =	shalt  }
0x6e: {  	_ =	shalt  }
0x6f: {  	_ =	shalt  }
0x70: {  	_ =	shalt  }
0x71: {  	_ =	shalt  }
0x72: {  	_ =	shalt  }
0x73: {  	_ =	shalt  }
0x74: {  	_ =	shalt  }
0x75: {  	_ =	shalt  }
0x76: {  	_ =	shalt  }
0x77: {  	_ =	shalt  }
0x78: {  	_ =	shalt  }
0x79: {  	_ =	shalt  }
0x7a: {  	_ =	shalt  }
0x7b: {  	_ =	shalt  }
0x7c: {  	_ =	shalt  }
0x7d: {  	_ =	shalt  }
0x7e: {  	_ =	shalt  }
0x7f: {  	_ =	shalt  }
0x80: {  	_ =	shalt  }
0x81: {  	_ =	shalt  }
0x82: {  	_ =	shalt  }
0x83: {  	_ =	shalt  }
0x84: {  	_ =	shalt  }
0x85: {  	_ =	shalt  }
0x86: {  	_ =	shalt  }
0x87: {  	_ =	shalt  }
.Lfunc_end0:
.L_simem_size_0:
called_computation_lowered:
.L_overlay_start_0:
0x88: {  	s2 =	sld [smem:$0x3FD9]  }
0x89: {  	s3 =	sld [smem:$0x3FFE];
	_ =	sdelay $0x1  }
0x8a: {  	s1 =	srdreg.scid  }
0x8b: {  	s0 =	sand.u32 $0x1, s1  }
0x8c: {  	s18 =	sshll.u32 s0, $0xA;
	s2 =	sadd.s32 s3, s2  }
0x8d: {  	s2 =	sadd.s32 s2, s18  }
0x8e: {  	[smem:$0x3FC6] =	sst s2  }
0x8f: {  	_ = 	snop  }
0x90: {  	s2 =	sld [smem:$0x3FC9]  }
0x91: {  	s19 =	sld [smem:$0x3FC8]  }
0x92: {  	s4 =	sld [smem:$0x3FD0];
	(tm) =	ssettm $0x1  }
0x93: {  	s5 =	sld [smem:$0x3FFB];
	_ =	sdelay $0x3  }
0x94: {  	_ =	strace s5  }
0x95: {  	s5 =	sld [smem:$0x3FFC];
	_ =	sdelay $0x3  }
0x96: {  	_ =	strace s5  }
0x97: {  	s5 =	sld [smem:$0x3FFD];
	_ =	sdelay $0x3  }
0x98: {  	_ =	strace s5  }
0x99: {  	_ =	strace $0x8FFFFFFF  }
0x9a: {  	s20 =	sld [smem:$0x3FDB];
	_ =	sdelay $0x1  }
0x9b: {  	s6 =	simm.s32 $_scs_section_size  }
0x9c: {  	s7 =	simm.s32 $_size__tile_overlayer_lowered;
	s8 =	simm.s32 $_tile_overlayer_lowered  }
0x9d: {  	s23 =	simm.s32 $0x1BFF;
	s22 =	sshll.u32 s8, $0x1;
	s5 =	sadd.s32 s6, s20  }
0x9e: {  	s9 =	simm.s32 $0x0;
	s21 =	sshll.u32 s7, $0x1;
	s7 =	sadd.s32 s22, s5  }
0x9f: {  	[timem:s9], [sflag:s23] =	dma.local [hbm:s7], s21  }
0xa0: {  	_ =	swait.ge [sflag:s23], s21  }
0xa1: {  	s6 =	ssub.s32 $0x0, s21;
	[sflag:s23] =	ssyncset.done $0x0  }
0xa2: {  	[sflag:s23] =	ssyncadd.s32 s6;
	_ =	sdelay $0x1  }
0xa3: {  	s24 =	simm.s32 $0x1B8B  }
0xa4: {  	_ =	swait.ge [sflag:s24], $0x1  }
0xa5: {  	[sflag:s24] =	ssyncset.done $0x0  }
0xa6: {  	s25 =	simm.s32 $0x1B8E;
	[sflag:s24] =	ssyncadd.s32 $0xFFFFFFFF  }
0xa7: {  	s26 =	simm.s32 $execute0_lowered;
	[smem:$0x3FD2] =	sst s25  }
0xa8: {  	s6 =	sshll.u32 s26, $0x1;
	_ =	strace $0x80000046;
	[dreg:$0x1] =	wrdreg $0xFFFFFFFF  }
0xa9: {  	s28 =	simm.s32 $_size_execute0_lowered;
	s5 =	sadd.s32 s5, s6;
	[dreg:$0x0] =	wrdreg $0x0  }
0xaa: {  	s6 =	sshll.u32 s28, $0x1;
	[dreg:$0x2] =	wrdreg s5  }
0xab: {  	[dreg:$0x3] =	wrdreg s6  }
0xac: {  	[dreg:$0x4] =	wrdreg $0xC0  }
0xad: {  	_ =	task [dreg:s9], $0x5FFFF  }
0xae: {  	[dreg:$0x1] =	wrdreg $0xFFFFFFFF  }
0xaf: {  	[dreg:$0x0] =	wrdreg $0x60  }
0xb0: {  	[dreg:$0x2] =	wrdreg s2  }
0xb1: {  	[dreg:$0x3] =	wrdreg s19  }
0xb2: {  	[dreg:$0x4] =	wrdreg s4  }
0xb3: {  	[dreg:$0x5] =	wrdreg $0x9  }
0xb4: {  	_ =	task.clear_ibuf [dreg:s9], $0x6FFFF;
	_ =	strace $0x90000046  }
0xb5: {  	s29 =	simm.s32 $0x9;
	_ =	strace $0x80000048  }
0xb6: {  	_ =	swait.ge [sflag:s29], $0x1  }
0xb7: {  	[sflag:s29] =	ssyncadd.s32 $0xFFFFFFFF  }
0xb8: {  	_ =	strace $0x90000048  }
0xb9: {  	_ =	sfence  }
0xba: {  	s30 =	sld [smem:$0x0];
	_ =	sdelay $0x2  }
0xbb: {  	s31 =	sshll.u32 s1, $0xD;
	s1 =	sshrl.u32 s1, $0x2  }
0xbc: {  	s3 =	sand.u32 $0x4000, s31;
	s1 =	sadd.s32 s1, s30  }
0xbd: {  	s0 =	sor.u32 s3, s0;
	s1 =	sshll.u32 s1, $0x11  }
0xbe: {  	s0 =	sor.u32 s1, s0  }
0xbf: {  	s0 =	sadd.s32 $0x8F2B, s0  }
0xc0: {  	[sflag:s0] =	ssyncadd.remote.s32 $0x1  }
0xc1: {  	_ =	sfence.sel $0xFFFF  }
0xc2: {  	[dreg:$0x0] =	wrdreg $0xFFFFFFFF;
	(pc) =	sbr.abs _section_cstart, $3  }
0xc3: {  	[dreg:$0x1] =	wrdreg $0xFFFFFFFF  }
0xc4: {  	_ =	task.clear_ibuf [dreg:s9], $0x2FFFF;
	_ =	strace $0x9FFFFFFF  }
0xc5: {  	(tm) =	ssettm $0x7FFFFFFF  }
tec
execute0_lowered:
.L_overlay_start_1:
0x0: {  	(tag) =	ssettag $0x1  }
0x1: {  	s0 =	rddreg [dreg:$0x0]  }
0x2: {  	s1 =	rddreg [dreg:$0x1]  }
0x3: {  	s2 =	rddreg [dreg:$0x2];
	s3 =	simm.s32 $0x0;
	s11 =	stileid.u32  }
0x4: {  	s4 =	srdreg.scid;
	s12 =	simm.s32 $0x2200;
	s13 =	simm.s32 $0x2A00  }
0x5: {  	s15 =	simm.s32 $0x3200;
	s14 =	simm.s32 $0x6A00;
	s28 =	simm.s32 $0x3  }
0x6: {  	s29 =	simm.s32 $0x7;
	s30 =	simm.s32 $0x4;
	s31 =	simm.s32 $0x8  }
0x7: {  	[smem:$0x7FF] =	sst s3;
	s5 =	sshll.u32 s11, $0x1;
	s4 =	sand.u32 $0x1, s4  }
0x8: {  	s6 =	sshrl.u32 s11, $0x2;
	s16 =	sand.u32 $0x3, s11;
	s11 =	simm.s32 $0x1A00  }
0x9: {  	_ =	strace $0x80000047;
	s5 =	sand.u32 $0x6, s5;
	s7 =	ssub.s32 $0x2, s4  }
0xa: {  	s8 =	sshll.u32 s6, $0x4;
	s6 =	sshll.u32 s6, $0x16;
	s5 =	sor.u32 s4, s5  }
0xb: {  	s9 =	sshrl.u32 s7, $0x1;
	s0 =	sadd.s32 s0, s8;
	s4 =	sshll.u32 s4, $0x13  }
0xc: {  	s10 =	sshll.u32 s5, $0x8;
	s7 =	ssub.s32 s7, s9;
	s5 =	sshll.u32 s5, $0x13  }
0xd: {  	s0 =	sadd.s32 s10, s0;
	s17 =	sor.u32 s6, s5;
	s5 =	sadd.s32 $0x100, s1  }
0xe: {  	s26 =	smax.u32 s7, $0x1;
	s10 =	simm.s32 $0x1200;
	s7 =	simm.s32 $0xC200  }
0xf: {  	[dreg:$0x8] =	wrdreg s0;
	s0 =	sshll.u32 s16, $0x14;
	s8 =	sshrl.u32 s17, $0x3  }
0x10: {  	[dreg:$0xd] =	wrdreg s26;
	s16 =	simm.s32 $0x3A00;
	s17 =	simm.s32 $0x4A00  }
0x11: {  	s26 =	simm.s32 $0x6;
	s0 =	sor.u32 s0, s6;
	s6 =	sadd.s32 $0x200, s1  }
0x12: {  	s18 =	sadd.s32 s2, s8;
	s8 =	sadd.s32 $0x300, s1;
	s0 =	sor.u32 s4, s0  }
0x13: {  	s19 =	sadd.s32 $0xE800, s18;
	s20 =	sadd.s32 $0xF000, s18;
	[dreg:$0x9] =	wrdreg s18  }
0x14: {  	s25 =	sadd.s32 $0xF800, s18;
	s18 =	simm.s32 $0x5200;
	[dreg:$0xa] =	wrdreg s19  }
0x15: {  	s4 =	sor.u32 $0x4000, s0;
	[dreg:$0xb] =	wrdreg s20;
	s21 =	sor.u32 $0x8000, s0  }
0x16: {  	s23 =	sor.u32 $0x10000, s0;
	s0 =	sor.u32 $0xC000, s0;
	[dreg:$0xc] =	wrdreg s25  }
0x17: {  	s19 =	simm.s32 $0x5A00;
	s20 =	simm.s32 $0x6200;
	s25 =	simm.s32 $0x2  }
0x18: {  	s4 =	sshrl.u32 s4, $0x3;
	s22 =	sshrl.u32 s21, $0x3;
	s9 =	sshrl.u32 s23, $0x3  }
0x19: {  	s0 =	sshrl.u32 s0, $0x3;
	s23 =	simm.s32 $0xA00;
	s4 =	sadd.s32 s4, s2  }
0x1a: {  	s24 =	sadd.s32 s9, s2;
	s0 =	sadd.s32 s0, s2;
	[dreg:$0x4] =	wrdreg s4  }
0x1b: {  	v2 =	vlaneseq.u32;
	s9 =	simm.s32 $0x8200;
	s4 =	sadd.s32 s22, s2;
	[dreg:$0x6] =	wrdreg s24  }
0x1c: {  	vm0 =	vmmov $0xffff;
	v1 =	vshrl.u32 v2, $0x3;
	[dreg:$0x7] =	wrdreg s0;
	s0 =	simm.s32 $0x4200;
	s22 =	simm.s32 $0x1  }
0x1d: {  	v0 =	vand.u32 $0x7, v2;
	v2 =	vor.u32 $0x8, v2;
	v1 =	vmul.u32 $0x8, v1;
	s24 =	simm.s32 $0x5;
	[dreg:$0x5] =	wrdreg s4;
	s4 =	simm.s32 $0x0  }
.LBB2_1:
0x1e: {  	[dreg:$0xe] =	wrdreg s4  }
0x1f: {  	s2 =	rddreg [dreg:$0x8];
	s21 =	simm.s32 $0x200;
	s4 =	simm.s32 $0x80  }
0x20: {  	[tilespmem:s3], [sflag:$0x9] =	stream.strided.gather [hbm4b:s2+s4], $0x200, s21, s4, $0x38;
	[tilespmem:$0x10200] =	vst v63  }
0x21: {  	s21 =	simm.s32 $0x9  }
0x22: {  	_ =	swait.ge [sflag:s21], $0x200  }
0x23: {  	[sflag:s21] =	ssyncset.done $0x0  }
0x24: {  	[sflag:s21] =	ssyncadd.s32 $0xFFFFFE00  }
0x25: {  	v3 =	vld [tilespmem:$0x0];
	_ =	sdelay $0x4  }
0x26: {  	v4 =	vshll.u32 v3, $0x3  }
0x27: {  	v3 =	vand.u32 $0x7, v3;
	v4 =	vand.u32 $0xFFFFFFC0, v4  }
0x28: {  	v3 =	vor.u32 v3, v4  }
0x29: {  	v4 =	vperm.xlane v3, v0;
	_ =	sdelay $0x1  }
0x2a: {  	v4 =	vadd.s32 v1, v4;
	_ =	sdelay $0x3  }
0x2b: {  	s4 =	simm.s32 $0x200  }
0x2c: {  	[tilespmem:s4], [sflag:$0x1] =	stream.indirect_vreg.gather [hbm4b:s1+s3], $0x80, v4, vm0, $0xb8;
	[tilespmem:$0x10200] =	vst v63  }
0x2d: {  	v3 =	vperm.xlane v3, v2  }
0x2e: {  	[tilespmem:s23], [sflag:$0x1] =	stream.indirect_vreg.gather [hbm4b:s5+s3], $0x80, v4, vm0, $0xb8;
	[tilespmem:$0x10200] =	vst v63  }
0x2f: {  	v3 =	vadd.s32 v1, v3  }
0x30: {  	[tilespmem:s10], [sflag:$0x1] =	stream.indirect_vreg.gather [hbm4b:s6+s3], $0x80, v4, vm0, $0xb8;
	[tilespmem:$0x10200] =	vst v63  }
0x31: {  	_ = 	snop  }
0x32: {  	[tilespmem:s11], [sflag:$0x1] =	stream.indirect_vreg.gather [hbm4b:s8+s3], $0x80, v4, vm0, $0xb8;
	[tilespmem:$0x10200] =	vst v63  }
0x33: {  	_ = 	snop  }
0x34: {  	[tilespmem:s12], [sflag:$0x1] =	stream.indirect_vreg.gather [hbm4b:s1+s3], $0x80, v3, vm0, $0xb8;
	[tilespmem:$0x10200] =	vst v63  }
0x35: {  	_ = 	snop  }
0x36: {  	[tilespmem:s13], [sflag:$0x1] =	stream.indirect_vreg.gather [hbm4b:s5+s3], $0x80, v3, vm0, $0xb8;
	[tilespmem:$0x10200] =	vst v63  }
0x37: {  	_ = 	snop  }
0x38: {  	[tilespmem:s15], [sflag:$0x1] =	stream.indirect_vreg.gather [hbm4b:s6+s3], $0x80, v3, vm0, $0xb8;
	[tilespmem:$0x10200] =	vst v63  }
0x39: {  	_ = 	snop  }
0x3a: {  	[tilespmem:s16], [sflag:$0x1] =	stream.indirect_vreg.gather [hbm4b:s8+s3], $0x80, v3, vm0, $0xb8;
	[tilespmem:$0x10200] =	vst v63  }
0x3b: {  	v3 =	vld [tilespmem:$0x10];
	_ =	sdelay $0x4  }
0x3c: {  	v61 =	vshll.u32 v3, $0x3  }
0x3d: {  	v3 =	vand.u32 $0x7, v3;
	v4 =	vand.u32 $0xFFFFFFC0, v61  }
0x3e: {  	v3 =	vor.u32 v3, v4  }
0x3f: {  	v4 =	vperm.xlane v3, v0;
	_ =	sdelay $0x1  }
0x40: {  	v4 =	vadd.s32 v1, v4;
	_ =	sdelay $0x4  }
0x41: {  	[tilespmem:s0], [sflag:$0x2] =	stream.indirect_vreg.gather [hbm4b:s1+s3], $0x80, v4, vm0, $0xb8;
	[tilespmem:$0x10200] =	vst v63  }
0x42: {  	v3 =	vperm.xlane v3, v2  }
0x43: {  	[tilespmem:s17], [sflag:$0x2] =	stream.indirect_vreg.gather [hbm4b:s5+s3], $0x80, v4, vm0, $0xb8;
	[tilespmem:$0x10200] =	vst v63  }
0x44: {  	v3 =	vadd.s32 v1, v3  }
0x45: {  	[tilespmem:s18], [sflag:$0x2] =	stream.indirect_vreg.gather [hbm4b:s6+s3], $0x80, v4, vm0, $0xb8;
	[tilespmem:$0x10200] =	vst v63  }
0x46: {  	_ = 	snop  }
0x47: {  	[tilespmem:s19], [sflag:$0x2] =	stream.indirect_vreg.gather [hbm4b:s8+s3], $0x80, v4, vm0, $0xb8;
	[tilespmem:$0x10200] =	vst v63  }
0x48: {  	_ = 	snop  }
0x49: {  	[tilespmem:s20], [sflag:$0x2] =	stream.indirect_vreg.gather [hbm4b:s1+s3], $0x80, v3, vm0, $0xb8;
	[tilespmem:$0x10200] =	vst v63  }
0x4a: {  	_ = 	snop  }
0x4b: {  	[tilespmem:s14], [sflag:$0x2] =	stream.indirect_vreg.gather [hbm4b:s5+s3], $0x80, v3, vm0, $0xb8;
	[tilespmem:$0x10200] =	vst v63  }
0x4c: {  	s21 =	simm.s32 $0x7200  }
0x4d: {  	[tilespmem:s21], [sflag:$0x2] =	stream.indirect_vreg.gather [hbm4b:s6+s3], $0x80, v3, vm0, $0xb8;
	[tilespmem:$0x10200] =	vst v63  }
0x4e: {  	s23 =	simm.s32 $0x7A00  }
0x4f: {  	[tilespmem:s23], [sflag:$0x2] =	stream.indirect_vreg.gather [hbm4b:s8+s3], $0x80, v3, vm0, $0xb8;
	[tilespmem:$0x10200] =	vst v63  }
0x50: {  	v3 =	vld [tilespmem:$0x20];
	_ =	sdelay $0x4  }
0x51: {  	v62 =	vshll.u32 v3, $0x3  }
0x52: {  	v3 =	vand.u32 $0x7, v3;
	v4 =	vand.u32 $0xFFFFFFC0, v62  }
0x53: {  	v3 =	vor.u32 v3, v4  }
0x54: {  	v4 =	vperm.xlane v3, v0;
	_ =	sdelay $0x1  }
0x55: {  	v4 =	vadd.s32 v1, v4;
	_ =	sdelay $0x4  }
0x56: {  	[tilespmem:s9], [sflag:$0x3] =	stream.indirect_vreg.gather [hbm4b:s1+s3], $0x80, v4, vm0, $0xb8;
	[tilespmem:$0x10200] =	vst v63  }
0x57: {  	s2 =	simm.s32 $0x8A00;
	v3 =	vperm.xlane v3, v2  }
0x58: {  	[tilespmem:s2], [sflag:$0x3] =	stream.indirect_vreg.gather [hbm4b:s5+s3], $0x80, v4, vm0, $0xb8;
	[tilespmem:$0x10200] =	vst v63  }
0x59: {  	v3 =	vadd.s32 v1, v3;
	s9 =	simm.s32 $0x9200  }
0x5a: {  	[tilespmem:s9], [sflag:$0x3] =	stream.indirect_vreg.gather [hbm4b:s6+s3], $0x80, v4, vm0, $0xb8;
	[tilespmem:$0x10200] =	vst v63  }
0x5b: {  	s10 =	simm.s32 $0x9A00  }
0x5c: {  	[tilespmem:s10], [sflag:$0x3] =	stream.indirect_vreg.gather [hbm4b:s8+s3], $0x80, v4, vm0, $0xb8;
	[tilespmem:$0x10200] =	vst v63  }
0x5d: {  	s11 =	simm.s32 $0xA200  }
0x5e: {  	[tilespmem:s11], [sflag:$0x3] =	stream.indirect_vreg.gather [hbm4b:s1+s3], $0x80, v3, vm0, $0xb8;
	[tilespmem:$0x10200] =	vst v63  }
0x5f: {  	s12 =	simm.s32 $0xAA00  }
0x60: {  	[tilespmem:s12], [sflag:$0x3] =	stream.indirect_vreg.gather [hbm4b:s5+s3], $0x80, v3, vm0, $0xb8;
	[tilespmem:$0x10200] =	vst v63  }
0x61: {  	s13 =	simm.s32 $0xB200  }
0x62: {  	[tilespmem:s13], [sflag:$0x3] =	stream.indirect_vreg.gather [hbm4b:s6+s3], $0x80, v3, vm0, $0xb8;
	[tilespmem:$0x10200] =	vst v63  }
0x63: {  	s14 =	simm.s32 $0xBA00  }
0x64: {  	[tilespmem:s14], [sflag:$0x3] =	stream.indirect_vreg.gather [hbm4b:s8+s3], $0x80, v3, vm0, $0xb8;
	[tilespmem:$0x10200] =	vst v63  }
0x65: {  	v3 =	vld [tilespmem:$0x30];
	_ =	sdelay $0x4  }
0x66: {  	v63 =	vshll.u32 v3, $0x3  }
0x67: {  	v3 =	vand.u32 $0x7, v3;
	v4 =	vand.u32 $0xFFFFFFC0, v63  }
0x68: {  	v3 =	vor.u32 v3, v4  }
0x69: {  	v4 =	vperm.xlane v3, v0;
	_ =	sdelay $0x1  }
0x6a: {  	v4 =	vadd.s32 v1, v4;
	_ =	sdelay $0x4  }
0x6b: {  	[tilespmem:s7], [sflag:$0x4] =	stream.indirect_vreg.gather [hbm4b:s1+s3], $0x80, v4, vm0, $0xb8;
	[tilespmem:$0x10200] =	vst v63  }
0x6c: {  	s15 =	simm.s32 $0xCA00;
	v3 =	vperm.xlane v3, v2  }
0x6d: {  	[tilespmem:s15], [sflag:$0x4] =	stream.indirect_vreg.gather [hbm4b:s5+s3], $0x80, v4, vm0, $0xb8;
	[tilespmem:$0x10200] =	vst v63  }
0x6e: {  	s16 =	simm.s32 $0xD200;
	v3 =	vadd.s32 v1, v3  }
0x6f: {  	[tilespmem:s16], [sflag:$0x4] =	stream.indirect_vreg.gather [hbm4b:s6+s3], $0x80, v4, vm0, $0xb8;
	[tilespmem:$0x10200] =	vst v63  }
0x70: {  	s17 =	simm.s32 $0xDA00  }
0x71: {  	[tilespmem:s17], [sflag:$0x4] =	stream.indirect_vreg.gather [hbm4b:s8+s3], $0x80, v4, vm0, $0xb8;
	[tilespmem:$0x10200] =	vst v63  }
0x72: {  	s18 =	simm.s32 $0xE200;
	s19 =	simm.s32 $0xEA00  }
0x73: {  	[tilespmem:s18], [sflag:$0x4] =	stream.indirect_vreg.gather [hbm4b:s1+s3], $0x80, v3, vm0, $0xb8;
	[tilespmem:$0x10200] =	vst v63  }
0x74: {  	s20 =	simm.s32 $0xF200;
	s21 =	simm.s32 $0xFA00;
	s2 =	simm.s32 $0x70  }
0x75: {  	[tilespmem:s19], [sflag:$0x4] =	stream.indirect_vreg.gather [hbm4b:s5+s3], $0x80, v3, vm0, $0xb8;
	[tilespmem:$0x10200] =	vst v63  }
0x76: {  	s11 =	simm.s32 $0x1A00;
	s12 =	simm.s32 $0x2200;
	s13 =	simm.s32 $0x0  }
0x77: {  	[tilespmem:s20], [sflag:$0x4] =	stream.indirect_vreg.gather [hbm4b:s6+s3], $0x80, v3, vm0, $0xb8;
	[tilespmem:$0x10200] =	vst v63  }
0x78: {  	s14 =	simm.s32 $0x6A00;
	s15 =	simm.s32 $0x2A00;
	s16 =	simm.s32 $0x3200  }
0x79: {  	[tilespmem:s21], [sflag:$0x4] =	stream.indirect_vreg.gather [hbm4b:s8+s3], $0x80, v3, vm0, $0xb8;
	[tilespmem:$0x10200] =	vst v63  }
0x7a: {  	s17 =	simm.s32 $0x3A00;
	s18 =	simm.s32 $0x4A00;
	_ =	swait.ge [sflag:s22], $0x4000  }
0x7b: {  	s19 =	simm.s32 $0x5200;
	s20 =	simm.s32 $0x5A00;
	[sflag:s22] =	ssyncset.done $0x0  }
0x7c: {  	s21 =	simm.s32 $0x6200;
	s23 =	rddreg [dreg:$0x9];
	[sflag:s22] =	ssyncadd.s32 $0xFFFFC000  }
0x7d: {  	[hbm4b:s23+s3] =	stream.linear.scatter [tilespmem:s4], [sflag:$0x5], $0x4000, $0x38;
	[tilespmem:$0x10200] =	vst v63  }
.LBB2_2:
0x7e: {  	_ =	swait.ge [sflag:s24], $0x4000  }
0x7f: {  	[sflag:s24] =	ssyncset.done $0x0  }
0x80: {  	[sflag:s24] =	ssyncadd.s32 $0xFFFFC000  }
0x81: {  	v3 =	vld [tilespmem:s2+$0xFFFFFFD0];
	_ =	sdelay $0x4  }
0x82: {  	v4 =	vshll.u32 v3, $0x3  }
0x83: {  	v3 =	vand.u32 $0x7, v3;
	v4 =	vand.u32 $0xFFFFFFC0, v4  }
0x84: {  	v3 =	vor.u32 v3, v4  }
0x85: {  	v4 =	vperm.xlane v3, v0;
	_ =	sdelay $0x1  }
0x86: {  	v4 =	vadd.s32 v1, v4;
	_ =	sdelay $0x4  }
0x87: {  	[tilespmem:s4], [sflag:$0x1] =	stream.indirect_vreg.gather [hbm4b:s1+s3], $0x80, v4, vm0, $0xb8;
	[tilespmem:$0x10200] =	vst v63  }
0x88: {  	s0 =	simm.s32 $0xA00;
	v3 =	vperm.xlane v3, v2  }
0x89: {  	[tilespmem:s0], [sflag:$0x1] =	stream.indirect_vreg.gather [hbm4b:s5+s3], $0x80, v4, vm0, $0xb8;
	[tilespmem:$0x10200] =	vst v63  }
0x8a: {  	s23 =	simm.s32 $0x1200;
	v3 =	vadd.s32 v1, v3  }
0x8b: {  	[tilespmem:s23], [sflag:$0x1] =	stream.indirect_vreg.gather [hbm4b:s6+s3], $0x80, v4, vm0, $0xb8;
	[tilespmem:$0x10200] =	vst v63  }
0x8c: {  	_ = 	snop  }
0x8d: {  	[tilespmem:s11], [sflag:$0x1] =	stream.indirect_vreg.gather [hbm4b:s8+s3], $0x80, v4, vm0, $0xb8;
	[tilespmem:$0x10200] =	vst v63  }
0x8e: {  	_ = 	snop  }
0x8f: {  	[tilespmem:s12], [sflag:$0x1] =	stream.indirect_vreg.gather [hbm4b:s1+s3], $0x80, v3, vm0, $0xb8;
	[tilespmem:$0x10200] =	vst v63  }
0x90: {  	_ = 	snop  }
0x91: {  	[tilespmem:s15], [sflag:$0x1] =	stream.indirect_vreg.gather [hbm4b:s5+s3], $0x80, v3, vm0, $0xb8;
	[tilespmem:$0x10200] =	vst v63  }
0x92: {  	_ = 	snop  }
0x93: {  	[tilespmem:s16], [sflag:$0x1] =	stream.indirect_vreg.gather [hbm4b:s6+s3], $0x80, v3, vm0, $0xb8;
	[tilespmem:$0x10200] =	vst v63  }
0x94: {  	_ = 	snop  }
0x95: {  	[tilespmem:s17], [sflag:$0x1] =	stream.indirect_vreg.gather [hbm4b:s8+s3], $0x80, v3, vm0, $0xb8;
	[tilespmem:$0x10200] =	vst v63  }
0x96: {  	_ =	swait.ge [sflag:s25], $0x4000  }
0x97: {  	s0 =	rddreg [dreg:$0x4];
	[sflag:s25] =	ssyncset.done $0x0  }
0x98: {  	s9 =	simm.s32 $0x4200;
	[sflag:s25] =	ssyncadd.s32 $0xFFFFC000;
	s4 =	sadd.s32 s13, s0  }
0x99: {  	[hbm4b:s4+s3] =	stream.linear.scatter [tilespmem:s9], [sflag:$0x6], $0x4000, $0x38;
	[tilespmem:$0x10200] =	vst v63  }
0x9a: {  	_ =	swait.ge [sflag:s26], $0x4000  }
0x9b: {  	[sflag:s26] =	ssyncset.done $0x0  }
0x9c: {  	[sflag:s26] =	ssyncadd.s32 $0xFFFFC000  }
0x9d: {  	v3 =	vld [tilespmem:s2+$0xFFFFFFE0];
	_ =	sdelay $0x4  }
0x9e: {  	v61 =	vshll.u32 v3, $0x3  }
0x9f: {  	v3 =	vand.u32 $0x7, v3;
	v4 =	vand.u32 $0xFFFFFFC0, v61  }
0xa0: {  	v3 =	vor.u32 v3, v4  }
0xa1: {  	v4 =	vperm.xlane v3, v0;
	_ =	sdelay $0x1  }
0xa2: {  	v4 =	vadd.s32 v1, v4;
	_ =	sdelay $0x4  }
0xa3: {  	[tilespmem:s9], [sflag:$0x2] =	stream.indirect_vreg.gather [hbm4b:s1+s3], $0x80, v4, vm0, $0xb8;
	[tilespmem:$0x10200] =	vst v63  }
0xa4: {  	v3 =	vperm.xlane v3, v2  }
0xa5: {  	[tilespmem:s18], [sflag:$0x2] =	stream.indirect_vreg.gather [hbm4b:s5+s3], $0x80, v4, vm0, $0xb8;
	[tilespmem:$0x10200] =	vst v63  }
0xa6: {  	v3 =	vadd.s32 v1, v3  }
0xa7: {  	[tilespmem:s19], [sflag:$0x2] =	stream.indirect_vreg.gather [hbm4b:s6+s3], $0x80, v4, vm0, $0xb8;
	[tilespmem:$0x10200] =	vst v63  }
0xa8: {  	_ = 	snop  }
0xa9: {  	[tilespmem:s20], [sflag:$0x2] =	stream.indirect_vreg.gather [hbm4b:s8+s3], $0x80, v4, vm0, $0xb8;
	[tilespmem:$0x10200] =	vst v63  }
0xaa: {  	_ = 	snop  }
0xab: {  	[tilespmem:s21], [sflag:$0x2] =	stream.indirect_vreg.gather [hbm4b:s1+s3], $0x80, v3, vm0, $0xb8;
	[tilespmem:$0x10200] =	vst v63  }
0xac: {  	_ = 	snop  }
0xad: {  	[tilespmem:s14], [sflag:$0x2] =	stream.indirect_vreg.gather [hbm4b:s5+s3], $0x80, v3, vm0, $0xb8;
	[tilespmem:$0x10200] =	vst v63  }
0xae: {  	s9 =	simm.s32 $0x7200  }
0xaf: {  	[tilespmem:s9], [sflag:$0x2] =	stream.indirect_vreg.gather [hbm4b:s6+s3], $0x80, v3, vm0, $0xb8;
	[tilespmem:$0x10200] =	vst v63  }
0xb0: {  	s10 =	simm.s32 $0x7A00  }
0xb1: {  	[tilespmem:s10], [sflag:$0x2] =	stream.indirect_vreg.gather [hbm4b:s8+s3], $0x80, v3, vm0, $0xb8;
	[tilespmem:$0x10200] =	vst v63  }
0xb2: {  	_ =	swait.ge [sflag:s28], $0x4000  }
0xb3: {  	s9 =	rddreg [dreg:$0x5];
	[sflag:s28] =	ssyncset.done $0x0  }
0xb4: {  	s10 =	simm.s32 $0x8200;
	[sflag:s28] =	ssyncadd.s32 $0xFFFFC000;
	s4 =	sadd.s32 s13, s9  }
0xb5: {  	[hbm4b:s4+s3] =	stream.linear.scatter [tilespmem:s10], [sflag:$0x7], $0x4000, $0x38;
	[tilespmem:$0x10200] =	vst v63  }
0xb6: {  	_ =	swait.ge [sflag:s29], $0x4000  }
0xb7: {  	[sflag:s29] =	ssyncset.done $0x0  }
0xb8: {  	[sflag:s29] =	ssyncadd.s32 $0xFFFFC000  }
0xb9: {  	v3 =	vld [tilespmem:s2+$0xFFFFFFF0];
	_ =	sdelay $0x4  }
0xba: {  	v62 =	vshll.u32 v3, $0x3  }
0xbb: {  	v3 =	vand.u32 $0x7, v3;
	v4 =	vand.u32 $0xFFFFFFC0, v62  }
0xbc: {  	v3 =	vor.u32 v3, v4  }
0xbd: {  	v4 =	vperm.xlane v3, v0;
	_ =	sdelay $0x1  }
0xbe: {  	v4 =	vadd.s32 v1, v4;
	_ =	sdelay $0x4  }
0xbf: {  	[tilespmem:s10], [sflag:$0x3] =	stream.indirect_vreg.gather [hbm4b:s1+s3], $0x80, v4, vm0, $0xb8;
	[tilespmem:$0x10200] =	vst v63  }
0xc0: {  	v3 =	vperm.xlane v3, v2;
	s10 =	simm.s32 $0x8A00  }
0xc1: {  	[tilespmem:s10], [sflag:$0x3] =	stream.indirect_vreg.gather [hbm4b:s5+s3], $0x80, v4, vm0, $0xb8;
	[tilespmem:$0x10200] =	vst v63  }
0xc2: {  	v3 =	vadd.s32 v1, v3;
	s10 =	simm.s32 $0x9200  }
0xc3: {  	[tilespmem:s10], [sflag:$0x3] =	stream.indirect_vreg.gather [hbm4b:s6+s3], $0x80, v4, vm0, $0xb8;
	[tilespmem:$0x10200] =	vst v63  }
0xc4: {  	s10 =	simm.s32 $0x9A00  }
0xc5: {  	[tilespmem:s10], [sflag:$0x3] =	stream.indirect_vreg.gather [hbm4b:s8+s3], $0x80, v4, vm0, $0xb8;
	[tilespmem:$0x10200] =	vst v63  }
0xc6: {  	s10 =	simm.s32 $0xA200  }
0xc7: {  	[tilespmem:s10], [sflag:$0x3] =	stream.indirect_vreg.gather [hbm4b:s1+s3], $0x80, v3, vm0, $0xb8;
	[tilespmem:$0x10200] =	vst v63  }
0xc8: {  	s10 =	simm.s32 $0xAA00  }
0xc9: {  	[tilespmem:s10], [sflag:$0x3] =	stream.indirect_vreg.gather [hbm4b:s5+s3], $0x80, v3, vm0, $0xb8;
	[tilespmem:$0x10200] =	vst v63  }
0xca: {  	s10 =	simm.s32 $0xB200  }
0xcb: {  	[tilespmem:s10], [sflag:$0x3] =	stream.indirect_vreg.gather [hbm4b:s6+s3], $0x80, v3, vm0, $0xb8;
	[tilespmem:$0x10200] =	vst v63  }
0xcc: {  	s10 =	simm.s32 $0xBA00  }
0xcd: {  	[tilespmem:s10], [sflag:$0x3] =	stream.indirect_vreg.gather [hbm4b:s8+s3], $0x80, v3, vm0, $0xb8;
	[tilespmem:$0x10200] =	vst v63  }
0xce: {  	_ =	swait.ge [sflag:s30], $0x4000  }
0xcf: {  	s10 =	rddreg [dreg:$0x7];
	[sflag:s30] =	ssyncset.done $0x0  }
0xd0: {  	[sflag:s30] =	ssyncadd.s32 $0xFFFFC000;
	s4 =	sadd.s32 s13, s10  }
0xd1: {  	[hbm4b:s4+s3] =	stream.linear.scatter [tilespmem:s7], [sflag:$0x8], $0x4000, $0x38;
	[tilespmem:$0x10200] =	vst v63  }
0xd2: {  	_ =	swait.ge [sflag:s31], $0x4000  }
0xd3: {  	[sflag:s31] =	ssyncset.done $0x0  }
0xd4: {  	[sflag:s31] =	ssyncadd.s32 $0xFFFFC000  }
0xd5: {  	v3 =	vld [tilespmem:s2+$0x0];
	_ =	sdelay $0x4  }
0xd6: {  	v63 =	vshll.u32 v3, $0x3  }
0xd7: {  	v3 =	vand.u32 $0x7, v3;
	v4 =	vand.u32 $0xFFFFFFC0, v63  }
0xd8: {  	v3 =	vor.u32 v3, v4  }
0xd9: {  	v4 =	vperm.xlane v3, v0;
	_ =	sdelay $0x1  }
0xda: {  	v4 =	vadd.s32 v1, v4;
	_ =	sdelay $0x4  }
0xdb: {  	[tilespmem:s7], [sflag:$0x4] =	stream.indirect_vreg.gather [hbm4b:s1+s3], $0x80, v4, vm0, $0xb8;
	[tilespmem:$0x10200] =	vst v63  }
0xdc: {  	s10 =	simm.s32 $0xCA00;
	v3 =	vperm.xlane v3, v2  }
0xdd: {  	[tilespmem:s10], [sflag:$0x4] =	stream.indirect_vreg.gather [hbm4b:s5+s3], $0x80, v4, vm0, $0xb8;
	[tilespmem:$0x10200] =	vst v63  }
0xde: {  	v3 =	vadd.s32 v1, v3;
	s10 =	simm.s32 $0xD200  }
0xdf: {  	[tilespmem:s10], [sflag:$0x4] =	stream.indirect_vreg.gather [hbm4b:s6+s3], $0x80, v4, vm0, $0xb8;
	[tilespmem:$0x10200] =	vst v63  }
0xe0: {  	s10 =	simm.s32 $0xDA00  }
0xe1: {  	[tilespmem:s10], [sflag:$0x4] =	stream.indirect_vreg.gather [hbm4b:s8+s3], $0x80, v4, vm0, $0xb8;
	[tilespmem:$0x10200] =	vst v63  }
0xe2: {  	s10 =	simm.s32 $0xE200  }
0xe3: {  	[tilespmem:s10], [sflag:$0x4] =	stream.indirect_vreg.gather [hbm4b:s1+s3], $0x80, v3, vm0, $0xb8;
	[tilespmem:$0x10200] =	vst v63  }
0xe4: {  	s10 =	simm.s32 $0xEA00  }
0xe5: {  	[tilespmem:s10], [sflag:$0x4] =	stream.indirect_vreg.gather [hbm4b:s5+s3], $0x80, v3, vm0, $0xb8;
	[tilespmem:$0x10200] =	vst v63  }
0xe6: {  	s10 =	simm.s32 $0xF200  }
0xe7: {  	[tilespmem:s10], [sflag:$0x4] =	stream.indirect_vreg.gather [hbm4b:s6+s3], $0x80, v3, vm0, $0xb8;
	[tilespmem:$0x10200] =	vst v63  }
0xe8: {  	p0 =	sne.s32 s13, $0xC000;
	s10 =	simm.s32 $0xFA00  }
0xe9: {  	[tilespmem:s10], [sflag:$0x4] =	stream.indirect_vreg.gather [hbm4b:s8+s3], $0x80, v3, vm0, $0xb8;
	[tilespmem:$0x10200] =	vst v63  }
.Ltmp0:
0xea: {  	s23 =	simm.s32 $0x200;
	_ =	swait.ge [sflag:s22], $0x4000;
	(pc) =	sbr.rel @p0 .LBB2_2-.Ltmp0, $4  }
0xeb: {  	s0 =	simm.s32 $0x4200;
	s10 =	rddreg [dreg:$0x6];
	[sflag:s22] =	ssyncset.done $0x0  }
0xec: {  	s9 =	simm.s32 $0x8200;
	[sflag:s22] =	ssyncadd.s32 $0xFFFFC000;
	s4 =	sadd.s32 s13, s10  }
0xed: {  	[hbm4b:s4+s3] =	stream.linear.scatter [tilespmem:s23], [sflag:$0x5], $0x4000, $0x38;
	[tilespmem:$0x10200] =	vst v63  }
0xee: {  	s2 =	sadd.s32 $0x40, s2;
	s13 =	sadd.s32 $0x2000, s13;
	s4 =	simm.s32 $0x200  }
0xef: {  	_ =	swait.ge [sflag:s25], $0x4000  }
0xf0: {  	[sflag:s25] =	ssyncset.done $0x0  }
0xf1: {  	s2 =	rddreg [dreg:$0xa];
	[sflag:s25] =	ssyncadd.s32 $0xFFFFC000  }
0xf2: {  	[hbm4b:s2+s3] =	stream.linear.scatter [tilespmem:s0], [sflag:$0x6], $0x4000, $0x38;
	[tilespmem:$0x10200] =	vst v63  }
0xf3: {  	_ =	swait.ge [sflag:s28], $0x4000  }
0xf4: {  	[sflag:s28] =	ssyncset.done $0x0  }
0xf5: {  	s20 =	rddreg [dreg:$0xb];
	[sflag:s28] =	ssyncadd.s32 $0xFFFFC000  }
0xf6: {  	[hbm4b:s20+s3] =	stream.linear.scatter [tilespmem:s9], [sflag:$0x7], $0x4000, $0x38;
	[tilespmem:$0x10200] =	vst v63  }
0xf7: {  	_ =	swait.ge [sflag:s30], $0x4000  }
0xf8: {  	[sflag:s30] =	ssyncset.done $0x0  }
0xf9: {  	s21 =	rddreg [dreg:$0xc];
	[sflag:s30] =	ssyncadd.s32 $0xFFFFC000  }
0xfa: {  	[hbm4b:s21+s3] =	stream.linear.scatter [tilespmem:s7], [sflag:$0x8], $0x4000, $0x38;
	[tilespmem:$0x10200] =	vst v63  }
0xfb: {  	_ =	swait.ge [sflag:s24], $0x4000  }
0xfc: {  	[sflag:s24] =	ssyncset.done $0x0  }
0xfd: {  	[sflag:s24] =	ssyncadd.s32 $0xFFFFC000  }
0xfe: {  	_ =	swait.ge [sflag:s26], $0x4000  }
0xff: {  	[sflag:s26] =	ssyncset.done $0x0  }
0x100: {  	[sflag:s26] =	ssyncadd.s32 $0xFFFFC000  }
0x101: {  	_ =	swait.ge [sflag:s29], $0x4000  }
0x102: {  	[sflag:s29] =	ssyncset.done $0x0  }
0x103: {  	[sflag:s29] =	ssyncadd.s32 $0xFFFFC000  }
0x104: {  	_ =	swait.ge [sflag:s31], $0x4000  }
0x105: {  	s4 =	rddreg [dreg:$0xe]  }
0x106: {  	s23 =	rddreg [dreg:$0xd];
	s4 =	sadd.s32 $0x1, s4  }
0x107: {  	p0 =	sne.s32 s4, s23  }
.Ltmp1:
0x108: {  	s10 =	simm.s32 $0x1200;
	s11 =	simm.s32 $0x1A00;
	(pc) =	sbr.rel @p0 .LBB2_1-.Ltmp1, $4  }
0x109: {  	s12 =	simm.s32 $0x2200;
	s13 =	simm.s32 $0x2A00;
	s15 =	simm.s32 $0x3200  }
0x10a: {  	s16 =	simm.s32 $0x3A00;
	s17 =	simm.s32 $0x4A00;
	s18 =	simm.s32 $0x5200  }
0x10b: {  	s19 =	simm.s32 $0x5A00;
	s14 =	simm.s32 $0x6A00;
	[sflag:s31] =	ssyncset.done $0x0  }
0x10c: {  	s20 =	simm.s32 $0x6200;
	[sflag:s31] =	ssyncadd.s32 $0xFFFFC000;
	s23 =	simm.s32 $0xA00  }
0x10d: {  	_ =	sfence.sel $0x180000  }
0x10e: {  	[bflag:$0x0] =	sbarrier.arrive $0xFFFF  }
0x10f: {  	_ =	strace $0x90000047  }
0x110: {  	s0 =	stileid.u32;
	[bflag:$0x2] =	sbarrier.arrive $0xFFFF  }
0x111: {  	p0 =	sne.s32 s0, $0x0;
	s0 =	rddreg [dreg:$0x3]  }
0x112: {  	s0 =	sadd.s32 @!p0 $0x100000, s0  }
0x113: {  	[sflag:s0] =	ssyncadd.tile.s32 @!p0 $0x1;
	_ =	shalt  }
.Lfunc_end2:
_tile_overlayer_lowered:
.L_overlay_start_2:
0x114: {  	(tag) =	ssettag $0x2  }
0x115: {  	s0 =	rddreg [dreg:$0x0];
	s2 =	stileid.u32  }
0x116: {  	s1 =	rddreg [dreg:$0x1];
	p0 =	sne.s32 s2, $0x0  }
0x117: {  	s3 =	rddreg [dreg:$0x2];
	[bflag:$0x3] =	sbarrier.arrive $0xFFFF;
	s2 =	simm.s32 @!p0 $0x1C09  }
0x118: {  	[timem:s3], [sflag:s2] =	dma.local @!p0 [hbm:s0], s1  }
0x119: {  	s0 =	simm.s32 @!p0 $0x9  }
0x11a: {  	_ =	swait.ge @!p0 [sflag:s0], s1  }
0x11b: {  	s1 =	ssub.s32 @!p0 $0x0, s1;
	[sflag:s0] =	ssyncset.done @!p0 $0x0  }
0x11c: {  	[sflag:s0] =	ssyncadd.s32 @!p0 s1  }
0x11d: {  	[bflag:$0x3] =	sbarrier.arrive $0xFFFF  }
0x11e: {  	_ =	shalt  }

</sc_bundles>
